<compile_context>
chip_gen: v7x
topology: tpu7x:2x2x1
jax: 0.10.2.dev20260603
libtpu: 0.0.44.dev20260713+nightly
codegen_flags: <defaults>
</compile_context>

<pallas_src>
import functools

import jax
import jax.numpy as jnp
from jax import lax
from jax.experimental import pallas as pl
from jax.experimental.pallas import tpu as pltpu
from jax.experimental.pallas import tpu_sc as plsc

H = 512
W = 512
NS = 16
L = 16
RROWS = H // NS
HALF = RROWS // 2
WVECS = W // L
PAIRS = RROWS // 2

_mesh = plsc.VectorSubcoreMesh(
    core_axis_name="c", subcore_axis_name="s", num_cores=1)


def _band_max(ref, m):

    @plsc.parallel_loop(0, WVECS, carry=m)
    def acc(j, mm):
        v = [ref[r, pl.ds(j * L, L)] for r in range(HALF)]
        stride = HALF // 2
        while stride >= 1:
            v = [jnp.maximum(v[k], v[k + stride]) for k in range(stride)]
            stride //= 2
        return jnp.maximum(mm, v[0])

    return acc


@functools.partial(
    pl.kernel,
    mesh=_mesh,
    out_type=jax.ShapeDtypeStruct((H, W), jnp.float32),
    scratch_types=[
        pltpu.VMEM((HALF, W), jnp.int32),
        pltpu.VMEM((HALF, W), jnp.int32),
        pltpu.VMEM((2, W), jnp.float32),
        pltpu.VMEM((2, W), jnp.float32),
        pltpu.VMEM((NS * L,), jnp.int32),
        pltpu.VMEM_SHARED((NS * L,), jnp.int32),
        pltpu.SemaphoreType.DMA,
        pltpu.SemaphoreType.DMA,
        pltpu.SemaphoreType.DMA,
    ],
)
def _sampler_sc(label_hbm, out_hbm, chunk_a, chunk_b, val_v, ones_v,
                part_v, shared, sem_a, sem_b, sem_o):
    s = lax.axis_index("s")
    row0 = s * RROWS

    cp_a = pltpu.async_copy(label_hbm.at[pl.ds(row0, HALF), :], chunk_a,
                            sem_a)
    cp_b = pltpu.async_copy(label_hbm.at[pl.ds(row0 + HALF, HALF), :],
                            chunk_b, sem_b)
    cp_a.wait()
    m = _band_max(chunk_a, jnp.zeros((L,), jnp.int32))
    cp_b.wait()
    m = _band_max(chunk_b, m)

    part_v[pl.ds(0, L)] = m
    pltpu.sync_copy(part_v.at[pl.ds(0, L)], shared.at[pl.ds(s * L, L)])
    plsc.subcore_barrier()
    pltpu.sync_copy(shared, part_v)

    v2 = [part_v[pl.ds(j * L, L)] for j in range(NS)]
    stride = NS // 2
    while stride >= 1:
        v2 = [jnp.maximum(v2[k], v2[k + stride]) for k in range(stride)]
        stride //= 2
    acc2 = v2[0]

    gmax = acc2[0]
    for i in range(1, L):
        gmax = jnp.maximum(gmax, acc2[i])

    val = jnp.where(gmax >= 11, 0.0, 1.0).astype(jnp.float32)
    vec = jnp.full((L,), val, jnp.float32)
    ones = jnp.full((L,), 1.0, jnp.float32)

    for r in range(2):
        for j in range(WVECS):
            val_v[r, pl.ds(j * L, L)] = vec
            ones_v[r, pl.ds(j * L, L)] = ones

    copies = [
        pltpu.async_copy(val_v, out_hbm.at[pl.ds(row0 + 2 * p, 2), :],
                         sem_o)
        for p in range(PAIRS)
    ]
    for cp in copies:
        cp.wait()

    @pl.when(s == 0)
    def _():
        pltpu.sync_copy(ones_v, out_hbm.at[pl.ds(0, 2), :])


def kernel(label):
    return _sampler_sc(label)

# --- scband reference (transcript-rebuilt; emitter-appended) ---
"""Pipeline reference for scband-sampler-16673063043385 (READ-ONLY COPY).

The authoritative reference and input builder live on the scoring server;
editing this copy changes nothing except your own understanding.
"""

import jax, jax.numpy as jnp
import numpy as np

VALID_CLS = np.array([0, 1, 2, 3, 4, 5, 6, 7, 8, 9, 10], dtype=np.int64)


def setup_inputs(seed: int = 0):
    key = jax.random.key(seed)
    label = jax.random.randint(key, (512, 512), 0, 19, dtype=jnp.int32)
    return {"label": label}


def _forward(label):
    lab = label
    cls_all = jnp.arange(19, dtype=lab.dtype)
    valid = jnp.asarray(VALID_CLS, dtype=lab.dtype)
    present = jnp.any(lab[None, :, :] == cls_all[:, None, None], axis=(1, 2))
    present_valid = jnp.any(lab[None, :, :] == valid[:, None, None], axis=(1, 2))
    n_n = jnp.sum(present)
    n_v = jnp.sum(present_valid)
    scls_ = jnp.sum(
        (lab[None, :, :] == valid[:, None, None]) & present_valid[:, None, None],
        axis=0,
    )
    bar_mask = present & jnp.asarray(~np.isin(np.arange(19), VALID_CLS))
    lcls_ = jnp.sum(
        (lab[None, :, :] == cls_all[:, None, None]) & bar_mask[:, None, None],
        axis=0,
    )
    mask = jnp.zeros(lab.shape, dtype=jnp.float32)
    mask = mask.at[scls_.ravel()].set(1.0)
    if len(scls_) * 8 < len(lcls_):
        lcls_p = np.random.permutation(lcls_)
        lcls_select = lcls_p[: len(scls_) * 8]
        mask = mask.at[jnp.asarray(lcls_select).ravel()].set(1.0)
    else:
        mask = mask.at[lcls_.ravel()].set(1.0)
    ones = jnp.ones(lab.shape, dtype=jnp.float32)
    return jnp.where(n_n > n_v, mask, ones)


def reference(label):
    return _forward(label)

if __name__ == "__main__":
    import jax
    _d = setup_inputs()
    print(jax.jit(kernel)(*tuple(_d.values())))

</pallas_src>

<mosaic_0001>
#map = affine_map<(d0, d1) -> (0, 0)>
module attributes {stable_mosaic.version = 14 : i64} {
  func.func @_sampler_sc(%arg0: i32, %arg1: i32, %arg2: memref<512x512xi32, #tpu.memory_space<hbm>>, %arg3: memref<512x512xf32, #tpu.memory_space<hbm>>, %arg4: memref<16x512xi32, #tpu.memory_space<vmem>>, %arg5: memref<16x512xi32, #tpu.memory_space<vmem>>, %arg6: memref<2x512xf32, #tpu.memory_space<vmem>>, %arg7: memref<2x512xf32, #tpu.memory_space<vmem>>, %arg8: memref<256xi32, #tpu.memory_space<vmem>>, %arg9: memref<256xi32, #tpu.memory_space<vmem_shared>>, %arg10: memref<!tpu.dma_semaphore, #tpu.memory_space<semaphore_mem>>, %arg11: memref<!tpu.dma_semaphore, #tpu.memory_space<semaphore_mem>>, %arg12: memref<!tpu.dma_semaphore, #tpu.memory_space<semaphore_mem>>) attributes {dimension_semantics = [#tpu.dimension_semantics<core_parallel>, #tpu.dimension_semantics<subcore_parallel>], iteration_bounds = array<i64: 1, 16>, scalar_prefetch = 0 : i64, scratch_operands = 9 : i64, tpu.core_type = #tpu.core_type<sc_vector_subcore>, window_params = [{transform_indices = #map}, {transform_indices = #map}]} {
    %mul3A = arith.constant 32 : i32
    %mul3A_0 = arith.muli %arg1, %mul3A : i32
    %dma_start3A = arith.constant 0 : i32
    %dma_start3A_1 = tpu.memref_slice %arg2[%mul3A_0, %dma_start3A] : memref<512x512xi32, #tpu.memory_space<hbm>> -> memref<16x512xi32, #tpu.memory_space<hbm>>
    %dma_start3A_2 = arith.constant 0 : i32
    %dma_start3A_3 = tpu.memref_slice %arg2[%mul3A_0, %dma_start3A_2] : memref<512x512xi32, #tpu.memory_space<hbm>> -> memref<16x512xi32, #tpu.memory_space<hbm>>
    tpu.enqueue_dma source(%dma_start3A_3 : memref<16x512xi32, #tpu.memory_space<hbm>>) target(%arg4 : memref<16x512xi32, #tpu.memory_space<vmem>>) target_semaphore(%arg10 : memref<!tpu.dma_semaphore, #tpu.memory_space<semaphore_mem>>)
    %add3A = arith.constant 16 : i32
    %add3A_4 = arith.addi %mul3A_0, %add3A : i32
    %dma_start3A_5 = arith.constant 0 : i32
    %dma_start3A_6 = tpu.memref_slice %arg2[%add3A_4, %dma_start3A_5] : memref<512x512xi32, #tpu.memory_space<hbm>> -> memref<16x512xi32, #tpu.memory_space<hbm>>
    %dma_start3A_7 = arith.constant 0 : i32
    %dma_start3A_8 = tpu.memref_slice %arg2[%add3A_4, %dma_start3A_7] : memref<512x512xi32, #tpu.memory_space<hbm>> -> memref<16x512xi32, #tpu.memory_space<hbm>>
    tpu.enqueue_dma source(%dma_start3A_8 : memref<16x512xi32, #tpu.memory_space<hbm>>) target(%arg5 : memref<16x512xi32, #tpu.memory_space<vmem>>) target_semaphore(%arg11 : memref<!tpu.dma_semaphore, #tpu.memory_space<semaphore_mem>>)
    %dma_wait3A = arith.constant 0 : i32
    %dma_wait3A_9 = tpu.memref_slice %arg2[%mul3A_0, %dma_wait3A] : memref<512x512xi32, #tpu.memory_space<hbm>> -> memref<16x512xi32, #tpu.memory_space<hbm>>
    %dma_wait3A_10 = arith.constant 0 : i32
    %dma_wait3A_11 = tpu.memref_slice %arg2[%mul3A_0, %dma_wait3A_10] : memref<512x512xi32, #tpu.memory_space<hbm>> -> memref<16x512xi32, #tpu.memory_space<hbm>>
    tpu.wait_dma2 semaphore(%arg10 : memref<!tpu.dma_semaphore, #tpu.memory_space<semaphore_mem>>) src(%dma_wait3A_11 : memref<16x512xi32, #tpu.memory_space<hbm>>) dst(%arg4 : memref<16x512xi32, #tpu.memory_space<vmem>>)
    %broadcast_in_dim3A = arith.constant 0 : i32
    %broadcast_in_dim3A_12 = vector.broadcast %broadcast_in_dim3A : i32 to vector<16xi32>
    %parallel_loop3A = arith.constant 0 : i32
    %parallel_loop3A_13 = arith.constant 32 : i32
    %parallel_loop3A_14 = arith.constant 1 : i32
    %parallel_loop3A_15 = scf.for %parallel_loop3A_1070 = %parallel_loop3A to %parallel_loop3A_13 step %parallel_loop3A_14 iter_args(%parallel_loop3A_1071 = %broadcast_in_dim3A_12) -> (vector<16xi32>)  : i32 {
      %parallel_loop3A_1072 = arith.constant 16 : i32
      %parallel_loop3A_1073 = arith.muli %parallel_loop3A_1070, %parallel_loop3A_1072 : i32
      %parallel_loop3A_1074 = arith.constant 0 : i32
      %parallel_loop3A_1075 = arith.index_cast %parallel_loop3A_1074 : i32 to index
      %parallel_loop3A_1076 = arith.index_cast %parallel_loop3A_1073 : i32 to index
      %parallel_loop3A_1077 = tpu.vector_load %arg4[%parallel_loop3A_1075, %parallel_loop3A_1076] {strides = array<i32>} : memref<16x512xi32, #tpu.memory_space<vmem>>, vector<1x16xi32>,
      %parallel_loop3A_1078 = vector.shape_cast %parallel_loop3A_1077 : vector<1x16xi32> to vector<16xi32>
      %parallel_loop3A_1079 = arith.constant 16 : i32
      %parallel_loop3A_1080 = arith.muli %parallel_loop3A_1070, %parallel_loop3A_1079 : i32
      %parallel_loop3A_1081 = arith.constant 1 : i32
      %parallel_loop3A_1082 = arith.index_cast %parallel_loop3A_1081 : i32 to index
      %parallel_loop3A_1083 = arith.index_cast %parallel_loop3A_1080 : i32 to index
      %parallel_loop3A_1084 = tpu.vector_load %arg4[%parallel_loop3A_1082, %parallel_loop3A_1083] {strides = array<i32>} : memref<16x512xi32, #tpu.memory_space<vmem>>, vector<1x16xi32>,
      %parallel_loop3A_1085 = vector.shape_cast %parallel_loop3A_1084 : vector<1x16xi32> to vector<16xi32>
      %parallel_loop3A_1086 = arith.constant 16 : i32
      %parallel_loop3A_1087 = arith.muli %parallel_loop3A_1070, %parallel_loop3A_1086 : i32
      %parallel_loop3A_1088 = arith.constant 2 : i32
      %parallel_loop3A_1089 = arith.index_cast %parallel_loop3A_1088 : i32 to index
      %parallel_loop3A_1090 = arith.index_cast %parallel_loop3A_1087 : i32 to index
      %parallel_loop3A_1091 = tpu.vector_load %arg4[%parallel_loop3A_1089, %parallel_loop3A_1090] {strides = array<i32>} : memref<16x512xi32, #tpu.memory_space<vmem>>, vector<1x16xi32>,
      %parallel_loop3A_1092 = vector.shape_cast %parallel_loop3A_1091 : vector<1x16xi32> to vector<16xi32>
      %parallel_loop3A_1093 = arith.constant 16 : i32
      %parallel_loop3A_1094 = arith.muli %parallel_loop3A_1070, %parallel_loop3A_1093 : i32
      %parallel_loop3A_1095 = arith.constant 3 : i32
      %parallel_loop3A_1096 = arith.index_cast %parallel_loop3A_1095 : i32 to index
      %parallel_loop3A_1097 = arith.index_cast %parallel_loop3A_1094 : i32 to index
      %parallel_loop3A_1098 = tpu.vector_load %arg4[%parallel_loop3A_1096, %parallel_loop3A_1097] {strides = array<i32>} : memref<16x512xi32, #tpu.memory_space<vmem>>, vector<1x16xi32>,
      %parallel_loop3A_1099 = vector.shape_cast %parallel_loop3A_1098 : vector<1x16xi32> to vector<16xi32>
      %parallel_loop3A_1100 = arith.constant 16 : i32
      %parallel_loop3A_1101 = arith.muli %parallel_loop3A_1070, %parallel_loop3A_1100 : i32
      %parallel_loop3A_1102 = arith.constant 4 : i32
      %parallel_loop3A_1103 = arith.index_cast %parallel_loop3A_1102 : i32 to index
      %parallel_loop3A_1104 = arith.index_cast %parallel_loop3A_1101 : i32 to index
      %parallel_loop3A_1105 = tpu.vector_load %arg4[%parallel_loop3A_1103, %parallel_loop3A_1104] {strides = array<i32>} : memref<16x512xi32, #tpu.memory_space<vmem>>, vector<1x16xi32>,
      %parallel_loop3A_1106 = vector.shape_cast %parallel_loop3A_1105 : vector<1x16xi32> to vector<16xi32>
      %parallel_loop3A_1107 = arith.constant 16 : i32
      %parallel_loop3A_1108 = arith.muli %parallel_loop3A_1070, %parallel_loop3A_1107 : i32
      %parallel_loop3A_1109 = arith.constant 5 : i32
      %parallel_loop3A_1110 = arith.index_cast %parallel_loop3A_1109 : i32 to index
      %parallel_loop3A_1111 = arith.index_cast %parallel_loop3A_1108 : i32 to index
      %parallel_loop3A_1112 = tpu.vector_load %arg4[%parallel_loop3A_1110, %parallel_loop3A_1111] {strides = array<i32>} : memref<16x512xi32, #tpu.memory_space<vmem>>, vector<1x16xi32>,
      %parallel_loop3A_1113 = vector.shape_cast %parallel_loop3A_1112 : vector<1x16xi32> to vector<16xi32>
      %parallel_loop3A_1114 = arith.constant 16 : i32
      %parallel_loop3A_1115 = arith.muli %parallel_loop3A_1070, %parallel_loop3A_1114 : i32
      %parallel_loop3A_1116 = arith.constant 6 : i32
      %parallel_loop3A_1117 = arith.index_cast %parallel_loop3A_1116 : i32 to index
      %parallel_loop3A_1118 = arith.index_cast %parallel_loop3A_1115 : i32 to index
      %parallel_loop3A_1119 = tpu.vector_load %arg4[%parallel_loop3A_1117, %parallel_loop3A_1118] {strides = array<i32>} : memref<16x512xi32, #tpu.memory_space<vmem>>, vector<1x16xi32>,
      %parallel_loop3A_1120 = vector.shape_cast %parallel_loop3A_1119 : vector<1x16xi32> to vector<16xi32>
      %parallel_loop3A_1121 = arith.constant 16 : i32
      %parallel_loop3A_1122 = arith.muli %parallel_loop3A_1070, %parallel_loop3A_1121 : i32
      %parallel_loop3A_1123 = arith.constant 7 : i32
      %parallel_loop3A_1124 = arith.index_cast %parallel_loop3A_1123 : i32 to index
      %parallel_loop3A_1125 = arith.index_cast %parallel_loop3A_1122 : i32 to index
      %parallel_loop3A_1126 = tpu.vector_load %arg4[%parallel_loop3A_1124, %parallel_loop3A_1125] {strides = array<i32>} : memref<16x512xi32, #tpu.memory_space<vmem>>, vector<1x16xi32>,
      %parallel_loop3A_1127 = vector.shape_cast %parallel_loop3A_1126 : vector<1x16xi32> to vector<16xi32>
      %parallel_loop3A_1128 = arith.constant 16 : i32
      %parallel_loop3A_1129 = arith.muli %parallel_loop3A_1070, %parallel_loop3A_1128 : i32
      %parallel_loop3A_1130 = arith.constant 8 : i32
      %parallel_loop3A_1131 = arith.index_cast %parallel_loop3A_1130 : i32 to index
      %parallel_loop3A_1132 = arith.index_cast %parallel_loop3A_1129 : i32 to index
      %parallel_loop3A_1133 = tpu.vector_load %arg4[%parallel_loop3A_1131, %parallel_loop3A_1132] {strides = array<i32>} : memref<16x512xi32, #tpu.memory_space<vmem>>, vector<1x16xi32>,
      %parallel_loop3A_1134 = vector.shape_cast %parallel_loop3A_1133 : vector<1x16xi32> to vector<16xi32>
      %parallel_loop3A_1135 = arith.constant 16 : i32
      %parallel_loop3A_1136 = arith.muli %parallel_loop3A_1070, %parallel_loop3A_1135 : i32
      %parallel_loop3A_1137 = arith.constant 9 : i32
      %parallel_loop3A_1138 = arith.index_cast %parallel_loop3A_1137 : i32 to index
      %parallel_loop3A_1139 = arith.index_cast %parallel_loop3A_1136 : i32 to index
      %parallel_loop3A_1140 = tpu.vector_load %arg4[%parallel_loop3A_1138, %parallel_loop3A_1139] {strides = array<i32>} : memref<16x512xi32, #tpu.memory_space<vmem>>, vector<1x16xi32>,
      %parallel_loop3A_1141 = vector.shape_cast %parallel_loop3A_1140 : vector<1x16xi32> to vector<16xi32>
      %parallel_loop3A_1142 = arith.constant 16 : i32
      %parallel_loop3A_1143 = arith.muli %parallel_loop3A_1070, %parallel_loop3A_1142 : i32
      %parallel_loop3A_1144 = arith.constant 10 : i32
      %parallel_loop3A_1145 = arith.index_cast %parallel_loop3A_1144 : i32 to index
      %parallel_loop3A_1146 = arith.index_cast %parallel_loop3A_1143 : i32 to index
      %parallel_loop3A_1147 = tpu.vector_load %arg4[%parallel_loop3A_1145, %parallel_loop3A_1146] {strides = array<i32>} : memref<16x512xi32, #tpu.memory_space<vmem>>, vector<1x16xi32>,
      %parallel_loop3A_1148 = vector.shape_cast %parallel_loop3A_1147 : vector<1x16xi32> to vector<16xi32>
      %parallel_loop3A_1149 = arith.constant 16 : i32
      %parallel_loop3A_1150 = arith.muli %parallel_loop3A_1070, %parallel_loop3A_1149 : i32
      %parallel_loop3A_1151 = arith.constant 11 : i32
      %parallel_loop3A_1152 = arith.index_cast %parallel_loop3A_1151 : i32 to index
      %parallel_loop3A_1153 = arith.index_cast %parallel_loop3A_1150 : i32 to index
      %parallel_loop3A_1154 = tpu.vector_load %arg4[%parallel_loop3A_1152, %parallel_loop3A_1153] {strides = array<i32>} : memref<16x512xi32, #tpu.memory_space<vmem>>, vector<1x16xi32>,
      %parallel_loop3A_1155 = vector.shape_cast %parallel_loop3A_1154 : vector<1x16xi32> to vector<16xi32>
      %parallel_loop3A_1156 = arith.constant 16 : i32
      %parallel_loop3A_1157 = arith.muli %parallel_loop3A_1070, %parallel_loop3A_1156 : i32
      %parallel_loop3A_1158 = arith.constant 12 : i32
      %parallel_loop3A_1159 = arith.index_cast %parallel_loop3A_1158 : i32 to index
      %parallel_loop3A_1160 = arith.index_cast %parallel_loop3A_1157 : i32 to index
      %parallel_loop3A_1161 = tpu.vector_load %arg4[%parallel_loop3A_1159, %parallel_loop3A_1160] {strides = array<i32>} : memref<16x512xi32, #tpu.memory_space<vmem>>, vector<1x16xi32>,
      %parallel_loop3A_1162 = vector.shape_cast %parallel_loop3A_1161 : vector<1x16xi32> to vector<16xi32>
      %parallel_loop3A_1163 = arith.constant 16 : i32
      %parallel_loop3A_1164 = arith.muli %parallel_loop3A_1070, %parallel_loop3A_1163 : i32
      %parallel_loop3A_1165 = arith.constant 13 : i32
      %parallel_loop3A_1166 = arith.index_cast %parallel_loop3A_1165 : i32 to index
      %parallel_loop3A_1167 = arith.index_cast %parallel_loop3A_1164 : i32 to index
      %parallel_loop3A_1168 = tpu.vector_load %arg4[%parallel_loop3A_1166, %parallel_loop3A_1167] {strides = array<i32>} : memref<16x512xi32, #tpu.memory_space<vmem>>, vector<1x16xi32>,
      %parallel_loop3A_1169 = vector.shape_cast %parallel_loop3A_1168 : vector<1x16xi32> to vector<16xi32>
      %parallel_loop3A_1170 = arith.constant 16 : i32
      %parallel_loop3A_1171 = arith.muli %parallel_loop3A_1070, %parallel_loop3A_1170 : i32
      %parallel_loop3A_1172 = arith.constant 14 : i32
      %parallel_loop3A_1173 = arith.index_cast %parallel_loop3A_1172 : i32 to index
      %parallel_loop3A_1174 = arith.index_cast %parallel_loop3A_1171 : i32 to index
      %parallel_loop3A_1175 = tpu.vector_load %arg4[%parallel_loop3A_1173, %parallel_loop3A_1174] {strides = array<i32>} : memref<16x512xi32, #tpu.memory_space<vmem>>, vector<1x16xi32>,
      %parallel_loop3A_1176 = vector.shape_cast %parallel_loop3A_1175 : vector<1x16xi32> to vector<16xi32>
      %parallel_loop3A_1177 = arith.constant 16 : i32
      %parallel_loop3A_1178 = arith.muli %parallel_loop3A_1070, %parallel_loop3A_1177 : i32
      %parallel_loop3A_1179 = arith.constant 15 : i32
      %parallel_loop3A_1180 = arith.index_cast %parallel_loop3A_1179 : i32 to index
      %parallel_loop3A_1181 = arith.index_cast %parallel_loop3A_1178 : i32 to index
      %parallel_loop3A_1182 = tpu.vector_load %arg4[%parallel_loop3A_1180, %parallel_loop3A_1181] {strides = array<i32>} : memref<16x512xi32, #tpu.memory_space<vmem>>, vector<1x16xi32>,
      %parallel_loop3A_1183 = vector.shape_cast %parallel_loop3A_1182 : vector<1x16xi32> to vector<16xi32>
      %parallel_loop3A_1184 = arith.maxsi %parallel_loop3A_1078, %parallel_loop3A_1134 : vector<16xi32>
      %parallel_loop3A_1185 = arith.maxsi %parallel_loop3A_1085, %parallel_loop3A_1141 : vector<16xi32>
      %parallel_loop3A_1186 = arith.maxsi %parallel_loop3A_1092, %parallel_loop3A_1148 : vector<16xi32>
      %parallel_loop3A_1187 = arith.maxsi %parallel_loop3A_1099, %parallel_loop3A_1155 : vector<16xi32>
      %parallel_loop3A_1188 = arith.maxsi %parallel_loop3A_1106, %parallel_loop3A_1162 : vector<16xi32>
      %parallel_loop3A_1189 = arith.maxsi %parallel_loop3A_1113, %parallel_loop3A_1169 : vector<16xi32>
      %parallel_loop3A_1190 = arith.maxsi %parallel_loop3A_1120, %parallel_loop3A_1176 : vector<16xi32>
      %parallel_loop3A_1191 = arith.maxsi %parallel_loop3A_1127, %parallel_loop3A_1183 : vector<16xi32>
      %parallel_loop3A_1192 = arith.maxsi %parallel_loop3A_1184, %parallel_loop3A_1188 : vector<16xi32>
      %parallel_loop3A_1193 = arith.maxsi %parallel_loop3A_1185, %parallel_loop3A_1189 : vector<16xi32>
      %parallel_loop3A_1194 = arith.maxsi %parallel_loop3A_1186, %parallel_loop3A_1190 : vector<16xi32>
      %parallel_loop3A_1195 = arith.maxsi %parallel_loop3A_1187, %parallel_loop3A_1191 : vector<16xi32>
      %parallel_loop3A_1196 = arith.maxsi %parallel_loop3A_1192, %parallel_loop3A_1194 : vector<16xi32>
      %parallel_loop3A_1197 = arith.maxsi %parallel_loop3A_1193, %parallel_loop3A_1195 : vector<16xi32>
      %parallel_loop3A_1198 = arith.maxsi %parallel_loop3A_1196, %parallel_loop3A_1197 : vector<16xi32>
      %parallel_loop3A_1199 = arith.maxsi %parallel_loop3A_1071, %parallel_loop3A_1198 : vector<16xi32>
      scf.yield %parallel_loop3A_1199 : vector<16xi32>
    } {sc.loop_unroll_factor = 1 : i64, sc.parallel_access}
    %dma_wait3A_16 = arith.constant 0 : i32
    %dma_wait3A_17 = tpu.memref_slice %arg2[%add3A_4, %dma_wait3A_16] : memref<512x512xi32, #tpu.memory_space<hbm>> -> memref<16x512xi32, #tpu.memory_space<hbm>>
    %dma_wait3A_18 = arith.constant 0 : i32
    %dma_wait3A_19 = tpu.memref_slice %arg2[%add3A_4, %dma_wait3A_18] : memref<512x512xi32, #tpu.memory_space<hbm>> -> memref<16x512xi32, #tpu.memory_space<hbm>>
    tpu.wait_dma2 semaphore(%arg11 : memref<!tpu.dma_semaphore, #tpu.memory_space<semaphore_mem>>) src(%dma_wait3A_19 : memref<16x512xi32, #tpu.memory_space<hbm>>) dst(%arg5 : memref<16x512xi32, #tpu.memory_space<vmem>>)
    %parallel_loop3A_20 = arith.constant 0 : i32
    %parallel_loop3A_21 = arith.constant 32 : i32
    %parallel_loop3A_22 = arith.constant 1 : i32
    %parallel_loop3A_23 = scf.for %parallel_loop3A_1070 = %parallel_loop3A_20 to %parallel_loop3A_21 step %parallel_loop3A_22 iter_args(%parallel_loop3A_1071 = %parallel_loop3A_15) -> (vector<16xi32>)  : i32 {
      %parallel_loop3A_1072 = arith.constant 16 : i32
      %parallel_loop3A_1073 = arith.muli %parallel_loop3A_1070, %parallel_loop3A_1072 : i32
      %parallel_loop3A_1074 = arith.constant 0 : i32
      %parallel_loop3A_1075 = arith.index_cast %parallel_loop3A_1074 : i32 to index
      %parallel_loop3A_1076 = arith.index_cast %parallel_loop3A_1073 : i32 to index
      %parallel_loop3A_1077 = tpu.vector_load %arg5[%parallel_loop3A_1075, %parallel_loop3A_1076] {strides = array<i32>} : memref<16x512xi32, #tpu.memory_space<vmem>>, vector<1x16xi32>,
      %parallel_loop3A_1078 = vector.shape_cast %parallel_loop3A_1077 : vector<1x16xi32> to vector<16xi32>
      %parallel_loop3A_1079 = arith.constant 16 : i32
      %parallel_loop3A_1080 = arith.muli %parallel_loop3A_1070, %parallel_loop3A_1079 : i32
      %parallel_loop3A_1081 = arith.constant 1 : i32
      %parallel_loop3A_1082 = arith.index_cast %parallel_loop3A_1081 : i32 to index
      %parallel_loop3A_1083 = arith.index_cast %parallel_loop3A_1080 : i32 to index
      %parallel_loop3A_1084 = tpu.vector_load %arg5[%parallel_loop3A_1082, %parallel_loop3A_1083] {strides = array<i32>} : memref<16x512xi32, #tpu.memory_space<vmem>>, vector<1x16xi32>,
      %parallel_loop3A_1085 = vector.shape_cast %parallel_loop3A_1084 : vector<1x16xi32> to vector<16xi32>
      %parallel_loop3A_1086 = arith.constant 16 : i32
      %parallel_loop3A_1087 = arith.muli %parallel_loop3A_1070, %parallel_loop3A_1086 : i32
      %parallel_loop3A_1088 = arith.constant 2 : i32
      %parallel_loop3A_1089 = arith.index_cast %parallel_loop3A_1088 : i32 to index
      %parallel_loop3A_1090 = arith.index_cast %parallel_loop3A_1087 : i32 to index
      %parallel_loop3A_1091 = tpu.vector_load %arg5[%parallel_loop3A_1089, %parallel_loop3A_1090] {strides = array<i32>} : memref<16x512xi32, #tpu.memory_space<vmem>>, vector<1x16xi32>,
      %parallel_loop3A_1092 = vector.shape_cast %parallel_loop3A_1091 : vector<1x16xi32> to vector<16xi32>
      %parallel_loop3A_1093 = arith.constant 16 : i32
      %parallel_loop3A_1094 = arith.muli %parallel_loop3A_1070, %parallel_loop3A_1093 : i32
      %parallel_loop3A_1095 = arith.constant 3 : i32
      %parallel_loop3A_1096 = arith.index_cast %parallel_loop3A_1095 : i32 to index
      %parallel_loop3A_1097 = arith.index_cast %parallel_loop3A_1094 : i32 to index
      %parallel_loop3A_1098 = tpu.vector_load %arg5[%parallel_loop3A_1096, %parallel_loop3A_1097] {strides = array<i32>} : memref<16x512xi32, #tpu.memory_space<vmem>>, vector<1x16xi32>,
      %parallel_loop3A_1099 = vector.shape_cast %parallel_loop3A_1098 : vector<1x16xi32> to vector<16xi32>
      %parallel_loop3A_1100 = arith.constant 16 : i32
      %parallel_loop3A_1101 = arith.muli %parallel_loop3A_1070, %parallel_loop3A_1100 : i32
      %parallel_loop3A_1102 = arith.constant 4 : i32
      %parallel_loop3A_1103 = arith.index_cast %parallel_loop3A_1102 : i32 to index
      %parallel_loop3A_1104 = arith.index_cast %parallel_loop3A_1101 : i32 to index
      %parallel_loop3A_1105 = tpu.vector_load %arg5[%parallel_loop3A_1103, %parallel_loop3A_1104] {strides = array<i32>} : memref<16x512xi32, #tpu.memory_space<vmem>>, vector<1x16xi32>,
      %parallel_loop3A_1106 = vector.shape_cast %parallel_loop3A_1105 : vector<1x16xi32> to vector<16xi32>
      %parallel_loop3A_1107 = arith.constant 16 : i32
      %parallel_loop3A_1108 = arith.muli %parallel_loop3A_1070, %parallel_loop3A_1107 : i32
      %parallel_loop3A_1109 = arith.constant 5 : i32
      %parallel_loop3A_1110 = arith.index_cast %parallel_loop3A_1109 : i32 to index
      %parallel_loop3A_1111 = arith.index_cast %parallel_loop3A_1108 : i32 to index
      %parallel_loop3A_1112 = tpu.vector_load %arg5[%parallel_loop3A_1110, %parallel_loop3A_1111] {strides = array<i32>} : memref<16x512xi32, #tpu.memory_space<vmem>>, vector<1x16xi32>,
      %parallel_loop3A_1113 = vector.shape_cast %parallel_loop3A_1112 : vector<1x16xi32> to vector<16xi32>
      %parallel_loop3A_1114 = arith.constant 16 : i32
      %parallel_loop3A_1115 = arith.muli %parallel_loop3A_1070, %parallel_loop3A_1114 : i32
      %parallel_loop3A_1116 = arith.constant 6 : i32
      %parallel_loop3A_1117 = arith.index_cast %parallel_loop3A_1116 : i32 to index
      %parallel_loop3A_1118 = arith.index_cast %parallel_loop3A_1115 : i32 to index
      %parallel_loop3A_1119 = tpu.vector_load %arg5[%parallel_loop3A_1117, %parallel_loop3A_1118] {strides = array<i32>} : memref<16x512xi32, #tpu.memory_space<vmem>>, vector<1x16xi32>,
      %parallel_loop3A_1120 = vector.shape_cast %parallel_loop3A_1119 : vector<1x16xi32> to vector<16xi32>
      %parallel_loop3A_1121 = arith.constant 16 : i32
      %parallel_loop3A_1122 = arith.muli %parallel_loop3A_1070, %parallel_loop3A_1121 : i32
      %parallel_loop3A_1123 = arith.constant 7 : i32
      %parallel_loop3A_1124 = arith.index_cast %parallel_loop3A_1123 : i32 to index
      %parallel_loop3A_1125 = arith.index_cast %parallel_loop3A_1122 : i32 to index
      %parallel_loop3A_1126 = tpu.vector_load %arg5[%parallel_loop3A_1124, %parallel_loop3A_1125] {strides = array<i32>} : memref<16x512xi32, #tpu.memory_space<vmem>>, vector<1x16xi32>,
      %parallel_loop3A_1127 = vector.shape_cast %parallel_loop3A_1126 : vector<1x16xi32> to vector<16xi32>
      %parallel_loop3A_1128 = arith.constant 16 : i32
      %parallel_loop3A_1129 = arith.muli %parallel_loop3A_1070, %parallel_loop3A_1128 : i32
      %parallel_loop3A_1130 = arith.constant 8 : i32
      %parallel_loop3A_1131 = arith.index_cast %parallel_loop3A_1130 : i32 to index
      %parallel_loop3A_1132 = arith.index_cast %parallel_loop3A_1129 : i32 to index
      %parallel_loop3A_1133 = tpu.vector_load %arg5[%parallel_loop3A_1131, %parallel_loop3A_1132] {strides = array<i32>} : memref<16x512xi32, #tpu.memory_space<vmem>>, vector<1x16xi32>,
      %parallel_loop3A_1134 = vector.shape_cast %parallel_loop3A_1133 : vector<1x16xi32> to vector<16xi32>
      %parallel_loop3A_1135 = arith.constant 16 : i32
      %parallel_loop3A_1136 = arith.muli %parallel_loop3A_1070, %parallel_loop3A_1135 : i32
      %parallel_loop3A_1137 = arith.constant 9 : i32
      %parallel_loop3A_1138 = arith.index_cast %parallel_loop3A_1137 : i32 to index
      %parallel_loop3A_1139 = arith.index_cast %parallel_loop3A_1136 : i32 to index
      %parallel_loop3A_1140 = tpu.vector_load %arg5[%parallel_loop3A_1138, %parallel_loop3A_1139] {strides = array<i32>} : memref<16x512xi32, #tpu.memory_space<vmem>>, vector<1x16xi32>,
      %parallel_loop3A_1141 = vector.shape_cast %parallel_loop3A_1140 : vector<1x16xi32> to vector<16xi32>
      %parallel_loop3A_1142 = arith.constant 16 : i32
      %parallel_loop3A_1143 = arith.muli %parallel_loop3A_1070, %parallel_loop3A_1142 : i32
      %parallel_loop3A_1144 = arith.constant 10 : i32
      %parallel_loop3A_1145 = arith.index_cast %parallel_loop3A_1144 : i32 to index
      %parallel_loop3A_1146 = arith.index_cast %parallel_loop3A_1143 : i32 to index
      %parallel_loop3A_1147 = tpu.vector_load %arg5[%parallel_loop3A_1145, %parallel_loop3A_1146] {strides = array<i32>} : memref<16x512xi32, #tpu.memory_space<vmem>>, vector<1x16xi32>,
      %parallel_loop3A_1148 = vector.shape_cast %parallel_loop3A_1147 : vector<1x16xi32> to vector<16xi32>
      %parallel_loop3A_1149 = arith.constant 16 : i32
      %parallel_loop3A_1150 = arith.muli %parallel_loop3A_1070, %parallel_loop3A_1149 : i32
      %parallel_loop3A_1151 = arith.constant 11 : i32
      %parallel_loop3A_1152 = arith.index_cast %parallel_loop3A_1151 : i32 to index
      %parallel_loop3A_1153 = arith.index_cast %parallel_loop3A_1150 : i32 to index
      %parallel_loop3A_1154 = tpu.vector_load %arg5[%parallel_loop3A_1152, %parallel_loop3A_1153] {strides = array<i32>} : memref<16x512xi32, #tpu.memory_space<vmem>>, vector<1x16xi32>,
      %parallel_loop3A_1155 = vector.shape_cast %parallel_loop3A_1154 : vector<1x16xi32> to vector<16xi32>
      %parallel_loop3A_1156 = arith.constant 16 : i32
      %parallel_loop3A_1157 = arith.muli %parallel_loop3A_1070, %parallel_loop3A_1156 : i32
      %parallel_loop3A_1158 = arith.constant 12 : i32
      %parallel_loop3A_1159 = arith.index_cast %parallel_loop3A_1158 : i32 to index
      %parallel_loop3A_1160 = arith.index_cast %parallel_loop3A_1157 : i32 to index
      %parallel_loop3A_1161 = tpu.vector_load %arg5[%parallel_loop3A_1159, %parallel_loop3A_1160] {strides = array<i32>} : memref<16x512xi32, #tpu.memory_space<vmem>>, vector<1x16xi32>,
      %parallel_loop3A_1162 = vector.shape_cast %parallel_loop3A_1161 : vector<1x16xi32> to vector<16xi32>
      %parallel_loop3A_1163 = arith.constant 16 : i32
      %parallel_loop3A_1164 = arith.muli %parallel_loop3A_1070, %parallel_loop3A_1163 : i32
      %parallel_loop3A_1165 = arith.constant 13 : i32
      %parallel_loop3A_1166 = arith.index_cast %parallel_loop3A_1165 : i32 to index
      %parallel_loop3A_1167 = arith.index_cast %parallel_loop3A_1164 : i32 to index
      %parallel_loop3A_1168 = tpu.vector_load %arg5[%parallel_loop3A_1166, %parallel_loop3A_1167] {strides = array<i32>} : memref<16x512xi32, #tpu.memory_space<vmem>>, vector<1x16xi32>,
      %parallel_loop3A_1169 = vector.shape_cast %parallel_loop3A_1168 : vector<1x16xi32> to vector<16xi32>
      %parallel_loop3A_1170 = arith.constant 16 : i32
      %parallel_loop3A_1171 = arith.muli %parallel_loop3A_1070, %parallel_loop3A_1170 : i32
      %parallel_loop3A_1172 = arith.constant 14 : i32
      %parallel_loop3A_1173 = arith.index_cast %parallel_loop3A_1172 : i32 to index
      %parallel_loop3A_1174 = arith.index_cast %parallel_loop3A_1171 : i32 to index
      %parallel_loop3A_1175 = tpu.vector_load %arg5[%parallel_loop3A_1173, %parallel_loop3A_1174] {strides = array<i32>} : memref<16x512xi32, #tpu.memory_space<vmem>>, vector<1x16xi32>,
      %parallel_loop3A_1176 = vector.shape_cast %parallel_loop3A_1175 : vector<1x16xi32> to vector<16xi32>
      %parallel_loop3A_1177 = arith.constant 16 : i32
      %parallel_loop3A_1178 = arith.muli %parallel_loop3A_1070, %parallel_loop3A_1177 : i32
      %parallel_loop3A_1179 = arith.constant 15 : i32
      %parallel_loop3A_1180 = arith.index_cast %parallel_loop3A_1179 : i32 to index
      %parallel_loop3A_1181 = arith.index_cast %parallel_loop3A_1178 : i32 to index
      %parallel_loop3A_1182 = tpu.vector_load %arg5[%parallel_loop3A_1180, %parallel_loop3A_1181] {strides = array<i32>} : memref<16x512xi32, #tpu.memory_space<vmem>>, vector<1x16xi32>,
      %parallel_loop3A_1183 = vector.shape_cast %parallel_loop3A_1182 : vector<1x16xi32> to vector<16xi32>
      %parallel_loop3A_1184 = arith.maxsi %parallel_loop3A_1078, %parallel_loop3A_1134 : vector<16xi32>
      %parallel_loop3A_1185 = arith.maxsi %parallel_loop3A_1085, %parallel_loop3A_1141 : vector<16xi32>
      %parallel_loop3A_1186 = arith.maxsi %parallel_loop3A_1092, %parallel_loop3A_1148 : vector<16xi32>
      %parallel_loop3A_1187 = arith.maxsi %parallel_loop3A_1099, %parallel_loop3A_1155 : vector<16xi32>
      %parallel_loop3A_1188 = arith.maxsi %parallel_loop3A_1106, %parallel_loop3A_1162 : vector<16xi32>
      %parallel_loop3A_1189 = arith.maxsi %parallel_loop3A_1113, %parallel_loop3A_1169 : vector<16xi32>
      %parallel_loop3A_1190 = arith.maxsi %parallel_loop3A_1120, %parallel_loop3A_1176 : vector<16xi32>
      %parallel_loop3A_1191 = arith.maxsi %parallel_loop3A_1127, %parallel_loop3A_1183 : vector<16xi32>
      %parallel_loop3A_1192 = arith.maxsi %parallel_loop3A_1184, %parallel_loop3A_1188 : vector<16xi32>
      %parallel_loop3A_1193 = arith.maxsi %parallel_loop3A_1185, %parallel_loop3A_1189 : vector<16xi32>
      %parallel_loop3A_1194 = arith.maxsi %parallel_loop3A_1186, %parallel_loop3A_1190 : vector<16xi32>
      %parallel_loop3A_1195 = arith.maxsi %parallel_loop3A_1187, %parallel_loop3A_1191 : vector<16xi32>
      %parallel_loop3A_1196 = arith.maxsi %parallel_loop3A_1192, %parallel_loop3A_1194 : vector<16xi32>
      %parallel_loop3A_1197 = arith.maxsi %parallel_loop3A_1193, %parallel_loop3A_1195 : vector<16xi32>
      %parallel_loop3A_1198 = arith.maxsi %parallel_loop3A_1196, %parallel_loop3A_1197 : vector<16xi32>
      %parallel_loop3A_1199 = arith.maxsi %parallel_loop3A_1071, %parallel_loop3A_1198 : vector<16xi32>
      scf.yield %parallel_loop3A_1199 : vector<16xi32>
    } {sc.loop_unroll_factor = 1 : i64, sc.parallel_access}
    %swap3A = arith.constant 0 : index
    %swap3A_24 = tpu.vector_load %arg8[%swap3A] {strides = array<i32>} : memref<256xi32, #tpu.memory_space<vmem>>, vector<16xi32>,
    %swap3A_25 = vector.shape_cast %swap3A_24 : vector<16xi32> to vector<16xi32>
    %swap3A_26 = vector.shape_cast %parallel_loop3A_23 : vector<16xi32> to vector<16xi32>
    tpu.vector_store %arg8[%swap3A], %swap3A_26 {strides = array<i32>} : memref<256xi32, #tpu.memory_space<vmem>>, vector<16xi32>,
    %mul3A_27 = arith.constant 16 : i32
    %mul3A_28 = arith.muli %arg1, %mul3A_27 : i32
    "tpu.region"() ({
      %run_scoped3A = tpu.sem_alloc : memref<!tpu.dma_semaphore, #tpu.memory_space<semaphore_mem>>
      %dma_start3A_1070 = arith.constant 0 : i32
      %dma_start3A_1071 = tpu.memref_slice %arg8[%dma_start3A_1070] : memref<256xi32, #tpu.memory_space<vmem>> -> memref<16xi32, #tpu.memory_space<vmem>>
      %dma_start3A_1072 = tpu.memref_slice %arg9[%mul3A_28] : memref<256xi32, #tpu.memory_space<vmem_shared>> -> memref<16xi32, #tpu.memory_space<vmem_shared>>
      %dma_start3A_1073 = tpu.memref_slice %arg9[%mul3A_28] : memref<256xi32, #tpu.memory_space<vmem_shared>> -> memref<16xi32, #tpu.memory_space<vmem_shared>>
      %dma_start3A_1074 = arith.constant 0 : i32
      %dma_start3A_1075 = tpu.memref_slice %arg8[%dma_start3A_1074] : memref<256xi32, #tpu.memory_space<vmem>> -> memref<16xi32, #tpu.memory_space<vmem>>
      tpu.enqueue_dma source(%dma_start3A_1075 : memref<16xi32, #tpu.memory_space<vmem>>) target(%dma_start3A_1073 : memref<16xi32, #tpu.memory_space<vmem_shared>>) target_semaphore(%run_scoped3A : memref<!tpu.dma_semaphore, #tpu.memory_space<semaphore_mem>>)
      %dma_wait3A_1076 = arith.constant 0 : i32
      %dma_wait3A_1077 = tpu.memref_slice %arg8[%dma_wait3A_1076] : memref<256xi32, #tpu.memory_space<vmem>> -> memref<16xi32, #tpu.memory_space<vmem>>
      %dma_wait3A_1078 = tpu.memref_slice %arg9[%mul3A_28] : memref<256xi32, #tpu.memory_space<vmem_shared>> -> memref<16xi32, #tpu.memory_space<vmem_shared>>
      %dma_wait3A_1079 = tpu.memref_slice %arg9[%mul3A_28] : memref<256xi32, #tpu.memory_space<vmem_shared>> -> memref<16xi32, #tpu.memory_space<vmem_shared>>
      %dma_wait3A_1080 = arith.constant 0 : i32
      %dma_wait3A_1081 = tpu.memref_slice %arg8[%dma_wait3A_1080] : memref<256xi32, #tpu.memory_space<vmem>> -> memref<16xi32, #tpu.memory_space<vmem>>
      tpu.wait_dma2 semaphore(%run_scoped3A : memref<!tpu.dma_semaphore, #tpu.memory_space<semaphore_mem>>) src(%dma_wait3A_1081 : memref<16xi32, #tpu.memory_space<vmem>>) dst(%dma_wait3A_1079 : memref<16xi32, #tpu.memory_space<vmem_shared>>)
      tpu.yield
    }) : () -> ()
    %barrier3A = arith.constant 0 : index
    tpu.barrier barrier_id(%barrier3A)
    "tpu.region"() ({
      %run_scoped3A = tpu.sem_alloc : memref<!tpu.dma_semaphore, #tpu.memory_space<semaphore_mem>>
      tpu.enqueue_dma source(%arg9 : memref<256xi32, #tpu.memory_space<vmem_shared>>) target(%arg8 : memref<256xi32, #tpu.memory_space<vmem>>) target_semaphore(%run_scoped3A : memref<!tpu.dma_semaphore, #tpu.memory_space<semaphore_mem>>)
      tpu.wait_dma2 semaphore(%run_scoped3A : memref<!tpu.dma_semaphore, #tpu.memory_space<semaphore_mem>>) src(%arg9 : memref<256xi32, #tpu.memory_space<vmem_shared>>) dst(%arg8 : memref<256xi32, #tpu.memory_space<vmem>>)
      tpu.yield
    }) : () -> ()
    %get3A = arith.constant 0 : index
    %get3A_29 = tpu.vector_load %arg8[%get3A] {strides = array<i32>} : memref<256xi32, #tpu.memory_space<vmem>>, vector<16xi32>,
    %get3A_30 = vector.shape_cast %get3A_29 : vector<16xi32> to vector<16xi32>
    %get3A_31 = arith.constant 16 : index
    %get3A_32 = tpu.vector_load %arg8[%get3A_31] {strides = array<i32>} : memref<256xi32, #tpu.memory_space<vmem>>, vector<16xi32>,
    %get3A_33 = vector.shape_cast %get3A_32 : vector<16xi32> to vector<16xi32>
    %get3A_34 = arith.constant 32 : index
    %get3A_35 = tpu.vector_load %arg8[%get3A_34] {strides = array<i32>} : memref<256xi32, #tpu.memory_space<vmem>>, vector<16xi32>,
    %get3A_36 = vector.shape_cast %get3A_35 : vector<16xi32> to vector<16xi32>
    %get3A_37 = arith.constant 48 : index
    %get3A_38 = tpu.vector_load %arg8[%get3A_37] {strides = array<i32>} : memref<256xi32, #tpu.memory_space<vmem>>, vector<16xi32>,
    %get3A_39 = vector.shape_cast %get3A_38 : vector<16xi32> to vector<16xi32>
    %get3A_40 = arith.constant 64 : index
    %get3A_41 = tpu.vector_load %arg8[%get3A_40] {strides = array<i32>} : memref<256xi32, #tpu.memory_space<vmem>>, vector<16xi32>,
    %get3A_42 = vector.shape_cast %get3A_41 : vector<16xi32> to vector<16xi32>
    %get3A_43 = arith.constant 80 : index
    %get3A_44 = tpu.vector_load %arg8[%get3A_43] {strides = array<i32>} : memref<256xi32, #tpu.memory_space<vmem>>, vector<16xi32>,
    %get3A_45 = vector.shape_cast %get3A_44 : vector<16xi32> to vector<16xi32>
    %get3A_46 = arith.constant 96 : index
    %get3A_47 = tpu.vector_load %arg8[%get3A_46] {strides = array<i32>} : memref<256xi32, #tpu.memory_space<vmem>>, vector<16xi32>,
    %get3A_48 = vector.shape_cast %get3A_47 : vector<16xi32> to vector<16xi32>
    %get3A_49 = arith.constant 112 : index
    %get3A_50 = tpu.vector_load %arg8[%get3A_49] {strides = array<i32>} : memref<256xi32, #tpu.memory_space<vmem>>, vector<16xi32>,
    %get3A_51 = vector.shape_cast %get3A_50 : vector<16xi32> to vector<16xi32>
    %get3A_52 = arith.constant 128 : index
    %get3A_53 = tpu.vector_load %arg8[%get3A_52] {strides = array<i32>} : memref<256xi32, #tpu.memory_space<vmem>>, vector<16xi32>,
    %get3A_54 = vector.shape_cast %get3A_53 : vector<16xi32> to vector<16xi32>
    %get3A_55 = arith.constant 144 : index
    %get3A_56 = tpu.vector_load %arg8[%get3A_55] {strides = array<i32>} : memref<256xi32, #tpu.memory_space<vmem>>, vector<16xi32>,
    %get3A_57 = vector.shape_cast %get3A_56 : vector<16xi32> to vector<16xi32>
    %get3A_58 = arith.constant 160 : index
    %get3A_59 = tpu.vector_load %arg8[%get3A_58] {strides = array<i32>} : memref<256xi32, #tpu.memory_space<vmem>>, vector<16xi32>,
    %get3A_60 = vector.shape_cast %get3A_59 : vector<16xi32> to vector<16xi32>
    %get3A_61 = arith.constant 176 : index
    %get3A_62 = tpu.vector_load %arg8[%get3A_61] {strides = array<i32>} : memref<256xi32, #tpu.memory_space<vmem>>, vector<16xi32>,
    %get3A_63 = vector.shape_cast %get3A_62 : vector<16xi32> to vector<16xi32>
    %get3A_64 = arith.constant 192 : index
    %get3A_65 = tpu.vector_load %arg8[%get3A_64] {strides = array<i32>} : memref<256xi32, #tpu.memory_space<vmem>>, vector<16xi32>,
    %get3A_66 = vector.shape_cast %get3A_65 : vector<16xi32> to vector<16xi32>
    %get3A_67 = arith.constant 208 : index
    %get3A_68 = tpu.vector_load %arg8[%get3A_67] {strides = array<i32>} : memref<256xi32, #tpu.memory_space<vmem>>, vector<16xi32>,
    %get3A_69 = vector.shape_cast %get3A_68 : vector<16xi32> to vector<16xi32>
    %get3A_70 = arith.constant 224 : index
    %get3A_71 = tpu.vector_load %arg8[%get3A_70] {strides = array<i32>} : memref<256xi32, #tpu.memory_space<vmem>>, vector<16xi32>,
    %get3A_72 = vector.shape_cast %get3A_71 : vector<16xi32> to vector<16xi32>
    %get3A_73 = arith.constant 240 : index
    %get3A_74 = tpu.vector_load %arg8[%get3A_73] {strides = array<i32>} : memref<256xi32, #tpu.memory_space<vmem>>, vector<16xi32>,
    %get3A_75 = vector.shape_cast %get3A_74 : vector<16xi32> to vector<16xi32>
    %max3A = arith.maxsi %get3A_30, %get3A_54 : vector<16xi32>
    %max3A_76 = arith.maxsi %get3A_33, %get3A_57 : vector<16xi32>
    %max3A_77 = arith.maxsi %get3A_36, %get3A_60 : vector<16xi32>
    %max3A_78 = arith.maxsi %get3A_39, %get3A_63 : vector<16xi32>
    %max3A_79 = arith.maxsi %get3A_42, %get3A_66 : vector<16xi32>
    %max3A_80 = arith.maxsi %get3A_45, %get3A_69 : vector<16xi32>
    %max3A_81 = arith.maxsi %get3A_48, %get3A_72 : vector<16xi32>
    %max3A_82 = arith.maxsi %get3A_51, %get3A_75 : vector<16xi32>
    %max3A_83 = arith.maxsi %max3A, %max3A_79 : vector<16xi32>
    %max3A_84 = arith.maxsi %max3A_76, %max3A_80 : vector<16xi32>
    %max3A_85 = arith.maxsi %max3A_77, %max3A_81 : vector<16xi32>
    %max3A_86 = arith.maxsi %max3A_78, %max3A_82 : vector<16xi32>
    %max3A_87 = arith.maxsi %max3A_83, %max3A_85 : vector<16xi32>
    %max3A_88 = arith.maxsi %max3A_84, %max3A_86 : vector<16xi32>
    %max3A_89 = arith.maxsi %max3A_87, %max3A_88 : vector<16xi32>
    %slice3A = vector.extract_strided_slice %max3A_89 {offsets = [0], sizes = [1], strides = [1]} : vector<16xi32> to vector<1xi32>
    %squeeze3A = vector.extract %slice3A[0] : i32 from vector<1xi32>
    %slice3A_90 = vector.extract_strided_slice %max3A_89 {offsets = [1], sizes = [1], strides = [1]} : vector<16xi32> to vector<1xi32>
    %squeeze3A_91 = vector.extract %slice3A_90[0] : i32 from vector<1xi32>
    %max3A_92 = arith.maxsi %squeeze3A, %squeeze3A_91 : i32
    %slice3A_93 = vector.extract_strided_slice %max3A_89 {offsets = [2], sizes = [1], strides = [1]} : vector<16xi32> to vector<1xi32>
    %squeeze3A_94 = vector.extract %slice3A_93[0] : i32 from vector<1xi32>
    %max3A_95 = arith.maxsi %max3A_92, %squeeze3A_94 : i32
    %slice3A_96 = vector.extract_strided_slice %max3A_89 {offsets = [3], sizes = [1], strides = [1]} : vector<16xi32> to vector<1xi32>
    %squeeze3A_97 = vector.extract %slice3A_96[0] : i32 from vector<1xi32>
    %max3A_98 = arith.maxsi %max3A_95, %squeeze3A_97 : i32
    %slice3A_99 = vector.extract_strided_slice %max3A_89 {offsets = [4], sizes = [1], strides = [1]} : vector<16xi32> to vector<1xi32>
    %squeeze3A_100 = vector.extract %slice3A_99[0] : i32 from vector<1xi32>
    %max3A_101 = arith.maxsi %max3A_98, %squeeze3A_100 : i32
    %slice3A_102 = vector.extract_strided_slice %max3A_89 {offsets = [5], sizes = [1], strides = [1]} : vector<16xi32> to vector<1xi32>
    %squeeze3A_103 = vector.extract %slice3A_102[0] : i32 from vector<1xi32>
    %max3A_104 = arith.maxsi %max3A_101, %squeeze3A_103 : i32
    %slice3A_105 = vector.extract_strided_slice %max3A_89 {offsets = [6], sizes = [1], strides = [1]} : vector<16xi32> to vector<1xi32>
    %squeeze3A_106 = vector.extract %slice3A_105[0] : i32 from vector<1xi32>
    %max3A_107 = arith.maxsi %max3A_104, %squeeze3A_106 : i32
    %slice3A_108 = vector.extract_strided_slice %max3A_89 {offsets = [7], sizes = [1], strides = [1]} : vector<16xi32> to vector<1xi32>
    %squeeze3A_109 = vector.extract %slice3A_108[0] : i32 from vector<1xi32>
    %max3A_110 = arith.maxsi %max3A_107, %squeeze3A_109 : i32
    %slice3A_111 = vector.extract_strided_slice %max3A_89 {offsets = [8], sizes = [1], strides = [1]} : vector<16xi32> to vector<1xi32>
    %squeeze3A_112 = vector.extract %slice3A_111[0] : i32 from vector<1xi32>
    %max3A_113 = arith.maxsi %max3A_110, %squeeze3A_112 : i32
    %slice3A_114 = vector.extract_strided_slice %max3A_89 {offsets = [9], sizes = [1], strides = [1]} : vector<16xi32> to vector<1xi32>
    %squeeze3A_115 = vector.extract %slice3A_114[0] : i32 from vector<1xi32>
    %max3A_116 = arith.maxsi %max3A_113, %squeeze3A_115 : i32
    %slice3A_117 = vector.extract_strided_slice %max3A_89 {offsets = [10], sizes = [1], strides = [1]} : vector<16xi32> to vector<1xi32>
    %squeeze3A_118 = vector.extract %slice3A_117[0] : i32 from vector<1xi32>
    %max3A_119 = arith.maxsi %max3A_116, %squeeze3A_118 : i32
    %slice3A_120 = vector.extract_strided_slice %max3A_89 {offsets = [11], sizes = [1], strides = [1]} : vector<16xi32> to vector<1xi32>
    %squeeze3A_121 = vector.extract %slice3A_120[0] : i32 from vector<1xi32>
    %max3A_122 = arith.maxsi %max3A_119, %squeeze3A_121 : i32
    %slice3A_123 = vector.extract_strided_slice %max3A_89 {offsets = [12], sizes = [1], strides = [1]} : vector<16xi32> to vector<1xi32>
    %squeeze3A_124 = vector.extract %slice3A_123[0] : i32 from vector<1xi32>
    %max3A_125 = arith.maxsi %max3A_122, %squeeze3A_124 : i32
    %slice3A_126 = vector.extract_strided_slice %max3A_89 {offsets = [13], sizes = [1], strides = [1]} : vector<16xi32> to vector<1xi32>
    %squeeze3A_127 = vector.extract %slice3A_126[0] : i32 from vector<1xi32>
    %max3A_128 = arith.maxsi %max3A_125, %squeeze3A_127 : i32
    %slice3A_129 = vector.extract_strided_slice %max3A_89 {offsets = [14], sizes = [1], strides = [1]} : vector<16xi32> to vector<1xi32>
    %squeeze3A_130 = vector.extract %slice3A_129[0] : i32 from vector<1xi32>
    %max3A_131 = arith.maxsi %max3A_128, %squeeze3A_130 : i32
    %slice3A_132 = vector.extract_strided_slice %max3A_89 {offsets = [15], sizes = [1], strides = [1]} : vector<16xi32> to vector<1xi32>
    %squeeze3A_133 = vector.extract %slice3A_132[0] : i32 from vector<1xi32>
    %max3A_134 = arith.maxsi %max3A_131, %squeeze3A_133 : i32
    %ge3A = arith.constant 11 : i32
    %ge3A_135 = arith.cmpi sge, %max3A_134, %ge3A : i32
    %jit3A = arith.constant 0.000000e+00 : f32
    %jit3A_136 = arith.constant 1.000000e+00 : f32
    %select_n3A = arith.select %ge3A_135, %jit3A, %jit3A_136 : f32
    %broadcast_in_dim3A_137 = vector.broadcast %select_n3A : f32 to vector<16xf32>
    %broadcast_in_dim3A_138 = arith.constant 1.000000e+00 : f32
    %broadcast_in_dim3A_139 = vector.broadcast %broadcast_in_dim3A_138 : f32 to vector<16xf32>
    %swap3A_140 = arith.constant 0 : i32
    %swap3A_141 = arith.index_cast %swap3A_140 : i32 to index
    %swap3A_142 = arith.constant 0 : index
    %swap3A_143 = tpu.vector_load %arg6[%swap3A_141, %swap3A_142] {strides = array<i32>} : memref<2x512xf32, #tpu.memory_space<vmem>>, vector<1x16xf32>,
    %swap3A_144 = vector.shape_cast %swap3A_143 : vector<1x16xf32> to vector<16xf32>
    %swap3A_145 = vector.shape_cast %broadcast_in_dim3A_137 : vector<16xf32> to vector<1x16xf32>
    tpu.vector_store %arg6[%swap3A_141, %swap3A_142], %swap3A_145 {strides = array<i32>} : memref<2x512xf32, #tpu.memory_space<vmem>>, vector<1x16xf32>,
    %swap3A_146 = arith.constant 0 : i32
    %swap3A_147 = arith.index_cast %swap3A_146 : i32 to index
    %swap3A_148 = arith.constant 0 : index
    %swap3A_149 = tpu.vector_load %arg7[%swap3A_147, %swap3A_148] {strides = array<i32>} : memref<2x512xf32, #tpu.memory_space<vmem>>, vector<1x16xf32>,
    %swap3A_150 = vector.shape_cast %swap3A_149 : vector<1x16xf32> to vector<16xf32>
    %swap3A_151 = vector.shape_cast %broadcast_in_dim3A_139 : vector<16xf32> to vector<1x16xf32>
    tpu.vector_store %arg7[%swap3A_147, %swap3A_148], %swap3A_151 {strides = array<i32>} : memref<2x512xf32, #tpu.memory_space<vmem>>, vector<1x16xf32>,
    %swap3A_152 = arith.constant 0 : i32
    %swap3A_153 = arith.index_cast %swap3A_152 : i32 to index
    %swap3A_154 = arith.constant 16 : index
    %swap3A_155 = tpu.vector_load %arg6[%swap3A_153, %swap3A_154] {strides = array<i32>} : memref<2x512xf32, #tpu.memory_space<vmem>>, vector<1x16xf32>,
    %swap3A_156 = vector.shape_cast %swap3A_155 : vector<1x16xf32> to vector<16xf32>
    %swap3A_157 = vector.shape_cast %broadcast_in_dim3A_137 : vector<16xf32> to vector<1x16xf32>
    tpu.vector_store %arg6[%swap3A_153, %swap3A_154], %swap3A_157 {strides = array<i32>} : memref<2x512xf32, #tpu.memory_space<vmem>>, vector<1x16xf32>,
    %swap3A_158 = arith.constant 0 : i32
    %swap3A_159 = arith.index_cast %swap3A_158 : i32 to index
    %swap3A_160 = arith.constant 16 : index
    %swap3A_161 = tpu.vector_load %arg7[%swap3A_159, %swap3A_160] {strides = array<i32>} : memref<2x512xf32, #tpu.memory_space<vmem>>, vector<1x16xf32>,
    %swap3A_162 = vector.shape_cast %swap3A_161 : vector<1x16xf32> to vector<16xf32>
    %swap3A_163 = vector.shape_cast %broadcast_in_dim3A_139 : vector<16xf32> to vector<1x16xf32>
    tpu.vector_store %arg7[%swap3A_159, %swap3A_160], %swap3A_163 {strides = array<i32>} : memref<2x512xf32, #tpu.memory_space<vmem>>, vector<1x16xf32>,
    %swap3A_164 = arith.constant 0 : i32
    %swap3A_165 = arith.index_cast %swap3A_164 : i32 to index
    %swap3A_166 = arith.constant 32 : index
    %swap3A_167 = tpu.vector_load %arg6[%swap3A_165, %swap3A_166] {strides = array<i32>} : memref<2x512xf32, #tpu.memory_space<vmem>>, vector<1x16xf32>,
    %swap3A_168 = vector.shape_cast %swap3A_167 : vector<1x16xf32> to vector<16xf32>
    %swap3A_169 = vector.shape_cast %broadcast_in_dim3A_137 : vector<16xf32> to vector<1x16xf32>
    tpu.vector_store %arg6[%swap3A_165, %swap3A_166], %swap3A_169 {strides = array<i32>} : memref<2x512xf32, #tpu.memory_space<vmem>>, vector<1x16xf32>,
    %swap3A_170 = arith.constant 0 : i32
    %swap3A_171 = arith.index_cast %swap3A_170 : i32 to index
    %swap3A_172 = arith.constant 32 : index
    %swap3A_173 = tpu.vector_load %arg7[%swap3A_171, %swap3A_172] {strides = array<i32>} : memref<2x512xf32, #tpu.memory_space<vmem>>, vector<1x16xf32>,
    %swap3A_174 = vector.shape_cast %swap3A_173 : vector<1x16xf32> to vector<16xf32>
    %swap3A_175 = vector.shape_cast %broadcast_in_dim3A_139 : vector<16xf32> to vector<1x16xf32>
    tpu.vector_store %arg7[%swap3A_171, %swap3A_172], %swap3A_175 {strides = array<i32>} : memref<2x512xf32, #tpu.memory_space<vmem>>, vector<1x16xf32>,
    %swap3A_176 = arith.constant 0 : i32
    %swap3A_177 = arith.index_cast %swap3A_176 : i32 to index
    %swap3A_178 = arith.constant 48 : index
    %swap3A_179 = tpu.vector_load %arg6[%swap3A_177, %swap3A_178] {strides = array<i32>} : memref<2x512xf32, #tpu.memory_space<vmem>>, vector<1x16xf32>,
    %swap3A_180 = vector.shape_cast %swap3A_179 : vector<1x16xf32> to vector<16xf32>
    %swap3A_181 = vector.shape_cast %broadcast_in_dim3A_137 : vector<16xf32> to vector<1x16xf32>
    tpu.vector_store %arg6[%swap3A_177, %swap3A_178], %swap3A_181 {strides = array<i32>} : memref<2x512xf32, #tpu.memory_space<vmem>>, vector<1x16xf32>,
    %swap3A_182 = arith.constant 0 : i32
    %swap3A_183 = arith.index_cast %swap3A_182 : i32 to index
    %swap3A_184 = arith.constant 48 : index
    %swap3A_185 = tpu.vector_load %arg7[%swap3A_183, %swap3A_184] {strides = array<i32>} : memref<2x512xf32, #tpu.memory_space<vmem>>, vector<1x16xf32>,
    %swap3A_186 = vector.shape_cast %swap3A_185 : vector<1x16xf32> to vector<16xf32>
    %swap3A_187 = vector.shape_cast %broadcast_in_dim3A_139 : vector<16xf32> to vector<1x16xf32>
    tpu.vector_store %arg7[%swap3A_183, %swap3A_184], %swap3A_187 {strides = array<i32>} : memref<2x512xf32, #tpu.memory_space<vmem>>, vector<1x16xf32>,
    %swap3A_188 = arith.constant 0 : i32
    %swap3A_189 = arith.index_cast %swap3A_188 : i32 to index
    %swap3A_190 = arith.constant 64 : index
    %swap3A_191 = tpu.vector_load %arg6[%swap3A_189, %swap3A_190] {strides = array<i32>} : memref<2x512xf32, #tpu.memory_space<vmem>>, vector<1x16xf32>,
    %swap3A_192 = vector.shape_cast %swap3A_191 : vector<1x16xf32> to vector<16xf32>
    %swap3A_193 = vector.shape_cast %broadcast_in_dim3A_137 : vector<16xf32> to vector<1x16xf32>
    tpu.vector_store %arg6[%swap3A_189, %swap3A_190], %swap3A_193 {strides = array<i32>} : memref<2x512xf32, #tpu.memory_space<vmem>>, vector<1x16xf32>,
    %swap3A_194 = arith.constant 0 : i32
    %swap3A_195 = arith.index_cast %swap3A_194 : i32 to index
    %swap3A_196 = arith.constant 64 : index
    %swap3A_197 = tpu.vector_load %arg7[%swap3A_195, %swap3A_196] {strides = array<i32>} : memref<2x512xf32, #tpu.memory_space<vmem>>, vector<1x16xf32>,
    %swap3A_198 = vector.shape_cast %swap3A_197 : vector<1x16xf32> to vector<16xf32>
    %swap3A_199 = vector.shape_cast %broadcast_in_dim3A_139 : vector<16xf32> to vector<1x16xf32>
    tpu.vector_store %arg7[%swap3A_195, %swap3A_196], %swap3A_199 {strides = array<i32>} : memref<2x512xf32, #tpu.memory_space<vmem>>, vector<1x16xf32>,
    %swap3A_200 = arith.constant 0 : i32
    %swap3A_201 = arith.index_cast %swap3A_200 : i32 to index
    %swap3A_202 = arith.constant 80 : index
    %swap3A_203 = tpu.vector_load %arg6[%swap3A_201, %swap3A_202] {strides = array<i32>} : memref<2x512xf32, #tpu.memory_space<vmem>>, vector<1x16xf32>,
    %swap3A_204 = vector.shape_cast %swap3A_203 : vector<1x16xf32> to vector<16xf32>
    %swap3A_205 = vector.shape_cast %broadcast_in_dim3A_137 : vector<16xf32> to vector<1x16xf32>
    tpu.vector_store %arg6[%swap3A_201, %swap3A_202], %swap3A_205 {strides = array<i32>} : memref<2x512xf32, #tpu.memory_space<vmem>>, vector<1x16xf32>,
    %swap3A_206 = arith.constant 0 : i32
    %swap3A_207 = arith.index_cast %swap3A_206 : i32 to index
    %swap3A_208 = arith.constant 80 : index
    %swap3A_209 = tpu.vector_load %arg7[%swap3A_207, %swap3A_208] {strides = array<i32>} : memref<2x512xf32, #tpu.memory_space<vmem>>, vector<1x16xf32>,
    %swap3A_210 = vector.shape_cast %swap3A_209 : vector<1x16xf32> to vector<16xf32>
    %swap3A_211 = vector.shape_cast %broadcast_in_dim3A_139 : vector<16xf32> to vector<1x16xf32>
    tpu.vector_store %arg7[%swap3A_207, %swap3A_208], %swap3A_211 {strides = array<i32>} : memref<2x512xf32, #tpu.memory_space<vmem>>, vector<1x16xf32>,
    %swap3A_212 = arith.constant 0 : i32
    %swap3A_213 = arith.index_cast %swap3A_212 : i32 to index
    %swap3A_214 = arith.constant 96 : index
    %swap3A_215 = tpu.vector_load %arg6[%swap3A_213, %swap3A_214] {strides = array<i32>} : memref<2x512xf32, #tpu.memory_space<vmem>>, vector<1x16xf32>,
    %swap3A_216 = vector.shape_cast %swap3A_215 : vector<1x16xf32> to vector<16xf32>
    %swap3A_217 = vector.shape_cast %broadcast_in_dim3A_137 : vector<16xf32> to vector<1x16xf32>
    tpu.vector_store %arg6[%swap3A_213, %swap3A_214], %swap3A_217 {strides = array<i32>} : memref<2x512xf32, #tpu.memory_space<vmem>>, vector<1x16xf32>,
    %swap3A_218 = arith.constant 0 : i32
    %swap3A_219 = arith.index_cast %swap3A_218 : i32 to index
    %swap3A_220 = arith.constant 96 : index
    %swap3A_221 = tpu.vector_load %arg7[%swap3A_219, %swap3A_220] {strides = array<i32>} : memref<2x512xf32, #tpu.memory_space<vmem>>, vector<1x16xf32>,
    %swap3A_222 = vector.shape_cast %swap3A_221 : vector<1x16xf32> to vector<16xf32>
    %swap3A_223 = vector.shape_cast %broadcast_in_dim3A_139 : vector<16xf32> to vector<1x16xf32>
    tpu.vector_store %arg7[%swap3A_219, %swap3A_220], %swap3A_223 {strides = array<i32>} : memref<2x512xf32, #tpu.memory_space<vmem>>, vector<1x16xf32>,
    %swap3A_224 = arith.constant 0 : i32
    %swap3A_225 = arith.index_cast %swap3A_224 : i32 to index
    %swap3A_226 = arith.constant 112 : index
    %swap3A_227 = tpu.vector_load %arg6[%swap3A_225, %swap3A_226] {strides = array<i32>} : memref<2x512xf32, #tpu.memory_space<vmem>>, vector<1x16xf32>,
    %swap3A_228 = vector.shape_cast %swap3A_227 : vector<1x16xf32> to vector<16xf32>
    %swap3A_229 = vector.shape_cast %broadcast_in_dim3A_137 : vector<16xf32> to vector<1x16xf32>
    tpu.vector_store %arg6[%swap3A_225, %swap3A_226], %swap3A_229 {strides = array<i32>} : memref<2x512xf32, #tpu.memory_space<vmem>>, vector<1x16xf32>,
    %swap3A_230 = arith.constant 0 : i32
    %swap3A_231 = arith.index_cast %swap3A_230 : i32 to index
    %swap3A_232 = arith.constant 112 : index
    %swap3A_233 = tpu.vector_load %arg7[%swap3A_231, %swap3A_232] {strides = array<i32>} : memref<2x512xf32, #tpu.memory_space<vmem>>, vector<1x16xf32>,
    %swap3A_234 = vector.shape_cast %swap3A_233 : vector<1x16xf32> to vector<16xf32>
    %swap3A_235 = vector.shape_cast %broadcast_in_dim3A_139 : vector<16xf32> to vector<1x16xf32>
    tpu.vector_store %arg7[%swap3A_231, %swap3A_232], %swap3A_235 {strides = array<i32>} : memref<2x512xf32, #tpu.memory_space<vmem>>, vector<1x16xf32>,
    %swap3A_236 = arith.constant 0 : i32
    %swap3A_237 = arith.index_cast %swap3A_236 : i32 to index
    %swap3A_238 = arith.constant 128 : index
    %swap3A_239 = tpu.vector_load %arg6[%swap3A_237, %swap3A_238] {strides = array<i32>} : memref<2x512xf32, #tpu.memory_space<vmem>>, vector<1x16xf32>,
    %swap3A_240 = vector.shape_cast %swap3A_239 : vector<1x16xf32> to vector<16xf32>
    %swap3A_241 = vector.shape_cast %broadcast_in_dim3A_137 : vector<16xf32> to vector<1x16xf32>
    tpu.vector_store %arg6[%swap3A_237, %swap3A_238], %swap3A_241 {strides = array<i32>} : memref<2x512xf32, #tpu.memory_space<vmem>>, vector<1x16xf32>,
    %swap3A_242 = arith.constant 0 : i32
    %swap3A_243 = arith.index_cast %swap3A_242 : i32 to index
    %swap3A_244 = arith.constant 128 : index
    %swap3A_245 = tpu.vector_load %arg7[%swap3A_243, %swap3A_244] {strides = array<i32>} : memref<2x512xf32, #tpu.memory_space<vmem>>, vector<1x16xf32>,
    %swap3A_246 = vector.shape_cast %swap3A_245 : vector<1x16xf32> to vector<16xf32>
    %swap3A_247 = vector.shape_cast %broadcast_in_dim3A_139 : vector<16xf32> to vector<1x16xf32>
    tpu.vector_store %arg7[%swap3A_243, %swap3A_244], %swap3A_247 {strides = array<i32>} : memref<2x512xf32, #tpu.memory_space<vmem>>, vector<1x16xf32>,
    %swap3A_248 = arith.constant 0 : i32
    %swap3A_249 = arith.index_cast %swap3A_248 : i32 to index
    %swap3A_250 = arith.constant 144 : index
    %swap3A_251 = tpu.vector_load %arg6[%swap3A_249, %swap3A_250] {strides = array<i32>} : memref<2x512xf32, #tpu.memory_space<vmem>>, vector<1x16xf32>,
    %swap3A_252 = vector.shape_cast %swap3A_251 : vector<1x16xf32> to vector<16xf32>
    %swap3A_253 = vector.shape_cast %broadcast_in_dim3A_137 : vector<16xf32> to vector<1x16xf32>
    tpu.vector_store %arg6[%swap3A_249, %swap3A_250], %swap3A_253 {strides = array<i32>} : memref<2x512xf32, #tpu.memory_space<vmem>>, vector<1x16xf32>,
    %swap3A_254 = arith.constant 0 : i32
    %swap3A_255 = arith.index_cast %swap3A_254 : i32 to index
    %swap3A_256 = arith.constant 144 : index
    %swap3A_257 = tpu.vector_load %arg7[%swap3A_255, %swap3A_256] {strides = array<i32>} : memref<2x512xf32, #tpu.memory_space<vmem>>, vector<1x16xf32>,
    %swap3A_258 = vector.shape_cast %swap3A_257 : vector<1x16xf32> to vector<16xf32>
    %swap3A_259 = vector.shape_cast %broadcast_in_dim3A_139 : vector<16xf32> to vector<1x16xf32>
    tpu.vector_store %arg7[%swap3A_255, %swap3A_256], %swap3A_259 {strides = array<i32>} : memref<2x512xf32, #tpu.memory_space<vmem>>, vector<1x16xf32>,
    %swap3A_260 = arith.constant 0 : i32
    %swap3A_261 = arith.index_cast %swap3A_260 : i32 to index
    %swap3A_262 = arith.constant 160 : index
    %swap3A_263 = tpu.vector_load %arg6[%swap3A_261, %swap3A_262] {strides = array<i32>} : memref<2x512xf32, #tpu.memory_space<vmem>>, vector<1x16xf32>,
    %swap3A_264 = vector.shape_cast %swap3A_263 : vector<1x16xf32> to vector<16xf32>
    %swap3A_265 = vector.shape_cast %broadcast_in_dim3A_137 : vector<16xf32> to vector<1x16xf32>
    tpu.vector_store %arg6[%swap3A_261, %swap3A_262], %swap3A_265 {strides = array<i32>} : memref<2x512xf32, #tpu.memory_space<vmem>>, vector<1x16xf32>,
    %swap3A_266 = arith.constant 0 : i32
    %swap3A_267 = arith.index_cast %swap3A_266 : i32 to index
    %swap3A_268 = arith.constant 160 : index
    %swap3A_269 = tpu.vector_load %arg7[%swap3A_267, %swap3A_268] {strides = array<i32>} : memref<2x512xf32, #tpu.memory_space<vmem>>, vector<1x16xf32>,
    %swap3A_270 = vector.shape_cast %swap3A_269 : vector<1x16xf32> to vector<16xf32>
    %swap3A_271 = vector.shape_cast %broadcast_in_dim3A_139 : vector<16xf32> to vector<1x16xf32>
    tpu.vector_store %arg7[%swap3A_267, %swap3A_268], %swap3A_271 {strides = array<i32>} : memref<2x512xf32, #tpu.memory_space<vmem>>, vector<1x16xf32>,
    %swap3A_272 = arith.constant 0 : i32
    %swap3A_273 = arith.index_cast %swap3A_272 : i32 to index
    %swap3A_274 = arith.constant 176 : index
    %swap3A_275 = tpu.vector_load %arg6[%swap3A_273, %swap3A_274] {strides = array<i32>} : memref<2x512xf32, #tpu.memory_space<vmem>>, vector<1x16xf32>,
    %swap3A_276 = vector.shape_cast %swap3A_275 : vector<1x16xf32> to vector<16xf32>
    %swap3A_277 = vector.shape_cast %broadcast_in_dim3A_137 : vector<16xf32> to vector<1x16xf32>
    tpu.vector_store %arg6[%swap3A_273, %swap3A_274], %swap3A_277 {strides = array<i32>} : memref<2x512xf32, #tpu.memory_space<vmem>>, vector<1x16xf32>,
    %swap3A_278 = arith.constant 0 : i32
    %swap3A_279 = arith.index_cast %swap3A_278 : i32 to index
    %swap3A_280 = arith.constant 176 : index
    %swap3A_281 = tpu.vector_load %arg7[%swap3A_279, %swap3A_280] {strides = array<i32>} : memref<2x512xf32, #tpu.memory_space<vmem>>, vector<1x16xf32>,
    %swap3A_282 = vector.shape_cast %swap3A_281 : vector<1x16xf32> to vector<16xf32>
    %swap3A_283 = vector.shape_cast %broadcast_in_dim3A_139 : vector<16xf32> to vector<1x16xf32>
    tpu.vector_store %arg7[%swap3A_279, %swap3A_280], %swap3A_283 {strides = array<i32>} : memref<2x512xf32, #tpu.memory_space<vmem>>, vector<1x16xf32>,
    %swap3A_284 = arith.constant 0 : i32
    %swap3A_285 = arith.index_cast %swap3A_284 : i32 to index
    %swap3A_286 = arith.constant 192 : index
    %swap3A_287 = tpu.vector_load %arg6[%swap3A_285, %swap3A_286] {strides = array<i32>} : memref<2x512xf32, #tpu.memory_space<vmem>>, vector<1x16xf32>,
    %swap3A_288 = vector.shape_cast %swap3A_287 : vector<1x16xf32> to vector<16xf32>
    %swap3A_289 = vector.shape_cast %broadcast_in_dim3A_137 : vector<16xf32> to vector<1x16xf32>
    tpu.vector_store %arg6[%swap3A_285, %swap3A_286], %swap3A_289 {strides = array<i32>} : memref<2x512xf32, #tpu.memory_space<vmem>>, vector<1x16xf32>,
    %swap3A_290 = arith.constant 0 : i32
    %swap3A_291 = arith.index_cast %swap3A_290 : i32 to index
    %swap3A_292 = arith.constant 192 : index
    %swap3A_293 = tpu.vector_load %arg7[%swap3A_291, %swap3A_292] {strides = array<i32>} : memref<2x512xf32, #tpu.memory_space<vmem>>, vector<1x16xf32>,
    %swap3A_294 = vector.shape_cast %swap3A_293 : vector<1x16xf32> to vector<16xf32>
    %swap3A_295 = vector.shape_cast %broadcast_in_dim3A_139 : vector<16xf32> to vector<1x16xf32>
    tpu.vector_store %arg7[%swap3A_291, %swap3A_292], %swap3A_295 {strides = array<i32>} : memref<2x512xf32, #tpu.memory_space<vmem>>, vector<1x16xf32>,
    %swap3A_296 = arith.constant 0 : i32
    %swap3A_297 = arith.index_cast %swap3A_296 : i32 to index
    %swap3A_298 = arith.constant 208 : index
    %swap3A_299 = tpu.vector_load %arg6[%swap3A_297, %swap3A_298] {strides = array<i32>} : memref<2x512xf32, #tpu.memory_space<vmem>>, vector<1x16xf32>,
    %swap3A_300 = vector.shape_cast %swap3A_299 : vector<1x16xf32> to vector<16xf32>
    %swap3A_301 = vector.shape_cast %broadcast_in_dim3A_137 : vector<16xf32> to vector<1x16xf32>
    tpu.vector_store %arg6[%swap3A_297, %swap3A_298], %swap3A_301 {strides = array<i32>} : memref<2x512xf32, #tpu.memory_space<vmem>>, vector<1x16xf32>,
    %swap3A_302 = arith.constant 0 : i32
    %swap3A_303 = arith.index_cast %swap3A_302 : i32 to index
    %swap3A_304 = arith.constant 208 : index
    %swap3A_305 = tpu.vector_load %arg7[%swap3A_303, %swap3A_304] {strides = array<i32>} : memref<2x512xf32, #tpu.memory_space<vmem>>, vector<1x16xf32>,
    %swap3A_306 = vector.shape_cast %swap3A_305 : vector<1x16xf32> to vector<16xf32>
    %swap3A_307 = vector.shape_cast %broadcast_in_dim3A_139 : vector<16xf32> to vector<1x16xf32>
    tpu.vector_store %arg7[%swap3A_303, %swap3A_304], %swap3A_307 {strides = array<i32>} : memref<2x512xf32, #tpu.memory_space<vmem>>, vector<1x16xf32>,
    %swap3A_308 = arith.constant 0 : i32
    %swap3A_309 = arith.index_cast %swap3A_308 : i32 to index
    %swap3A_310 = arith.constant 224 : index
    %swap3A_311 = tpu.vector_load %arg6[%swap3A_309, %swap3A_310] {strides = array<i32>} : memref<2x512xf32, #tpu.memory_space<vmem>>, vector<1x16xf32>,
    %swap3A_312 = vector.shape_cast %swap3A_311 : vector<1x16xf32> to vector<16xf32>
    %swap3A_313 = vector.shape_cast %broadcast_in_dim3A_137 : vector<16xf32> to vector<1x16xf32>
    tpu.vector_store %arg6[%swap3A_309, %swap3A_310], %swap3A_313 {strides = array<i32>} : memref<2x512xf32, #tpu.memory_space<vmem>>, vector<1x16xf32>,
    %swap3A_314 = arith.constant 0 : i32
    %swap3A_315 = arith.index_cast %swap3A_314 : i32 to index
    %swap3A_316 = arith.constant 224 : index
    %swap3A_317 = tpu.vector_load %arg7[%swap3A_315, %swap3A_316] {strides = array<i32>} : memref<2x512xf32, #tpu.memory_space<vmem>>, vector<1x16xf32>,
    %swap3A_318 = vector.shape_cast %swap3A_317 : vector<1x16xf32> to vector<16xf32>
    %swap3A_319 = vector.shape_cast %broadcast_in_dim3A_139 : vector<16xf32> to vector<1x16xf32>
    tpu.vector_store %arg7[%swap3A_315, %swap3A_316], %swap3A_319 {strides = array<i32>} : memref<2x512xf32, #tpu.memory_space<vmem>>, vector<1x16xf32>,
    %swap3A_320 = arith.constant 0 : i32
    %swap3A_321 = arith.index_cast %swap3A_320 : i32 to index
    %swap3A_322 = arith.constant 240 : index
    %swap3A_323 = tpu.vector_load %arg6[%swap3A_321, %swap3A_322] {strides = array<i32>} : memref<2x512xf32, #tpu.memory_space<vmem>>, vector<1x16xf32>,
    %swap3A_324 = vector.shape_cast %swap3A_323 : vector<1x16xf32> to vector<16xf32>
    %swap3A_325 = vector.shape_cast %broadcast_in_dim3A_137 : vector<16xf32> to vector<1x16xf32>
    tpu.vector_store %arg6[%swap3A_321, %swap3A_322], %swap3A_325 {strides = array<i32>} : memref<2x512xf32, #tpu.memory_space<vmem>>, vector<1x16xf32>,
    %swap3A_326 = arith.constant 0 : i32
    %swap3A_327 = arith.index_cast %swap3A_326 : i32 to index
    %swap3A_328 = arith.constant 240 : index
    %swap3A_329 = tpu.vector_load %arg7[%swap3A_327, %swap3A_328] {strides = array<i32>} : memref<2x512xf32, #tpu.memory_space<vmem>>, vector<1x16xf32>,
    %swap3A_330 = vector.shape_cast %swap3A_329 : vector<1x16xf32> to vector<16xf32>
    %swap3A_331 = vector.shape_cast %broadcast_in_dim3A_139 : vector<16xf32> to vector<1x16xf32>
    tpu.vector_store %arg7[%swap3A_327, %swap3A_328], %swap3A_331 {strides = array<i32>} : memref<2x512xf32, #tpu.memory_space<vmem>>, vector<1x16xf32>,
    %swap3A_332 = arith.constant 0 : i32
    %swap3A_333 = arith.index_cast %swap3A_332 : i32 to index
    %swap3A_334 = arith.constant 256 : index
    %swap3A_335 = tpu.vector_load %arg6[%swap3A_333, %swap3A_334] {strides = array<i32>} : memref<2x512xf32, #tpu.memory_space<vmem>>, vector<1x16xf32>,
    %swap3A_336 = vector.shape_cast %swap3A_335 : vector<1x16xf32> to vector<16xf32>
    %swap3A_337 = vector.shape_cast %broadcast_in_dim3A_137 : vector<16xf32> to vector<1x16xf32>
    tpu.vector_store %arg6[%swap3A_333, %swap3A_334], %swap3A_337 {strides = array<i32>} : memref<2x512xf32, #tpu.memory_space<vmem>>, vector<1x16xf32>,
    %swap3A_338 = arith.constant 0 : i32
    %swap3A_339 = arith.index_cast %swap3A_338 : i32 to index
    %swap3A_340 = arith.constant 256 : index
    %swap3A_341 = tpu.vector_load %arg7[%swap3A_339, %swap3A_340] {strides = array<i32>} : memref<2x512xf32, #tpu.memory_space<vmem>>, vector<1x16xf32>,
    %swap3A_342 = vector.shape_cast %swap3A_341 : vector<1x16xf32> to vector<16xf32>
    %swap3A_343 = vector.shape_cast %broadcast_in_dim3A_139 : vector<16xf32> to vector<1x16xf32>
    tpu.vector_store %arg7[%swap3A_339, %swap3A_340], %swap3A_343 {strides = array<i32>} : memref<2x512xf32, #tpu.memory_space<vmem>>, vector<1x16xf32>,
    %swap3A_344 = arith.constant 0 : i32
    %swap3A_345 = arith.index_cast %swap3A_344 : i32 to index
    %swap3A_346 = arith.constant 272 : index
    %swap3A_347 = tpu.vector_load %arg6[%swap3A_345, %swap3A_346] {strides = array<i32>} : memref<2x512xf32, #tpu.memory_space<vmem>>, vector<1x16xf32>,
    %swap3A_348 = vector.shape_cast %swap3A_347 : vector<1x16xf32> to vector<16xf32>
    %swap3A_349 = vector.shape_cast %broadcast_in_dim3A_137 : vector<16xf32> to vector<1x16xf32>
    tpu.vector_store %arg6[%swap3A_345, %swap3A_346], %swap3A_349 {strides = array<i32>} : memref<2x512xf32, #tpu.memory_space<vmem>>, vector<1x16xf32>,
    %swap3A_350 = arith.constant 0 : i32
    %swap3A_351 = arith.index_cast %swap3A_350 : i32 to index
    %swap3A_352 = arith.constant 272 : index
    %swap3A_353 = tpu.vector_load %arg7[%swap3A_351, %swap3A_352] {strides = array<i32>} : memref<2x512xf32, #tpu.memory_space<vmem>>, vector<1x16xf32>,
    %swap3A_354 = vector.shape_cast %swap3A_353 : vector<1x16xf32> to vector<16xf32>
    %swap3A_355 = vector.shape_cast %broadcast_in_dim3A_139 : vector<16xf32> to vector<1x16xf32>
    tpu.vector_store %arg7[%swap3A_351, %swap3A_352], %swap3A_355 {strides = array<i32>} : memref<2x512xf32, #tpu.memory_space<vmem>>, vector<1x16xf32>,
    %swap3A_356 = arith.constant 0 : i32
    %swap3A_357 = arith.index_cast %swap3A_356 : i32 to index
    %swap3A_358 = arith.constant 288 : index
    %swap3A_359 = tpu.vector_load %arg6[%swap3A_357, %swap3A_358] {strides = array<i32>} : memref<2x512xf32, #tpu.memory_space<vmem>>, vector<1x16xf32>,
    %swap3A_360 = vector.shape_cast %swap3A_359 : vector<1x16xf32> to vector<16xf32>
    %swap3A_361 = vector.shape_cast %broadcast_in_dim3A_137 : vector<16xf32> to vector<1x16xf32>
    tpu.vector_store %arg6[%swap3A_357, %swap3A_358], %swap3A_361 {strides = array<i32>} : memref<2x512xf32, #tpu.memory_space<vmem>>, vector<1x16xf32>,
    %swap3A_362 = arith.constant 0 : i32
    %swap3A_363 = arith.index_cast %swap3A_362 : i32 to index
    %swap3A_364 = arith.constant 288 : index
    %swap3A_365 = tpu.vector_load %arg7[%swap3A_363, %swap3A_364] {strides = array<i32>} : memref<2x512xf32, #tpu.memory_space<vmem>>, vector<1x16xf32>,
    %swap3A_366 = vector.shape_cast %swap3A_365 : vector<1x16xf32> to vector<16xf32>
    %swap3A_367 = vector.shape_cast %broadcast_in_dim3A_139 : vector<16xf32> to vector<1x16xf32>
    tpu.vector_store %arg7[%swap3A_363, %swap3A_364], %swap3A_367 {strides = array<i32>} : memref<2x512xf32, #tpu.memory_space<vmem>>, vector<1x16xf32>,
    %swap3A_368 = arith.constant 0 : i32
    %swap3A_369 = arith.index_cast %swap3A_368 : i32 to index
    %swap3A_370 = arith.constant 304 : index
    %swap3A_371 = tpu.vector_load %arg6[%swap3A_369, %swap3A_370] {strides = array<i32>} : memref<2x512xf32, #tpu.memory_space<vmem>>, vector<1x16xf32>,
    %swap3A_372 = vector.shape_cast %swap3A_371 : vector<1x16xf32> to vector<16xf32>
    %swap3A_373 = vector.shape_cast %broadcast_in_dim3A_137 : vector<16xf32> to vector<1x16xf32>
    tpu.vector_store %arg6[%swap3A_369, %swap3A_370], %swap3A_373 {strides = array<i32>} : memref<2x512xf32, #tpu.memory_space<vmem>>, vector<1x16xf32>,
    %swap3A_374 = arith.constant 0 : i32
    %swap3A_375 = arith.index_cast %swap3A_374 : i32 to index
    %swap3A_376 = arith.constant 304 : index
    %swap3A_377 = tpu.vector_load %arg7[%swap3A_375, %swap3A_376] {strides = array<i32>} : memref<2x512xf32, #tpu.memory_space<vmem>>, vector<1x16xf32>,
    %swap3A_378 = vector.shape_cast %swap3A_377 : vector<1x16xf32> to vector<16xf32>
    %swap3A_379 = vector.shape_cast %broadcast_in_dim3A_139 : vector<16xf32> to vector<1x16xf32>
    tpu.vector_store %arg7[%swap3A_375, %swap3A_376], %swap3A_379 {strides = array<i32>} : memref<2x512xf32, #tpu.memory_space<vmem>>, vector<1x16xf32>,
    %swap3A_380 = arith.constant 0 : i32
    %swap3A_381 = arith.index_cast %swap3A_380 : i32 to index
    %swap3A_382 = arith.constant 320 : index
    %swap3A_383 = tpu.vector_load %arg6[%swap3A_381, %swap3A_382] {strides = array<i32>} : memref<2x512xf32, #tpu.memory_space<vmem>>, vector<1x16xf32>,
    %swap3A_384 = vector.shape_cast %swap3A_383 : vector<1x16xf32> to vector<16xf32>
    %swap3A_385 = vector.shape_cast %broadcast_in_dim3A_137 : vector<16xf32> to vector<1x16xf32>
    tpu.vector_store %arg6[%swap3A_381, %swap3A_382], %swap3A_385 {strides = array<i32>} : memref<2x512xf32, #tpu.memory_space<vmem>>, vector<1x16xf32>,
    %swap3A_386 = arith.constant 0 : i32
    %swap3A_387 = arith.index_cast %swap3A_386 : i32 to index
    %swap3A_388 = arith.constant 320 : index
    %swap3A_389 = tpu.vector_load %arg7[%swap3A_387, %swap3A_388] {strides = array<i32>} : memref<2x512xf32, #tpu.memory_space<vmem>>, vector<1x16xf32>,
    %swap3A_390 = vector.shape_cast %swap3A_389 : vector<1x16xf32> to vector<16xf32>
    %swap3A_391 = vector.shape_cast %broadcast_in_dim3A_139 : vector<16xf32> to vector<1x16xf32>
    tpu.vector_store %arg7[%swap3A_387, %swap3A_388], %swap3A_391 {strides = array<i32>} : memref<2x512xf32, #tpu.memory_space<vmem>>, vector<1x16xf32>,
    %swap3A_392 = arith.constant 0 : i32
    %swap3A_393 = arith.index_cast %swap3A_392 : i32 to index
    %swap3A_394 = arith.constant 336 : index
    %swap3A_395 = tpu.vector_load %arg6[%swap3A_393, %swap3A_394] {strides = array<i32>} : memref<2x512xf32, #tpu.memory_space<vmem>>, vector<1x16xf32>,
    %swap3A_396 = vector.shape_cast %swap3A_395 : vector<1x16xf32> to vector<16xf32>
    %swap3A_397 = vector.shape_cast %broadcast_in_dim3A_137 : vector<16xf32> to vector<1x16xf32>
    tpu.vector_store %arg6[%swap3A_393, %swap3A_394], %swap3A_397 {strides = array<i32>} : memref<2x512xf32, #tpu.memory_space<vmem>>, vector<1x16xf32>,
    %swap3A_398 = arith.constant 0 : i32
    %swap3A_399 = arith.index_cast %swap3A_398 : i32 to index
    %swap3A_400 = arith.constant 336 : index
    %swap3A_401 = tpu.vector_load %arg7[%swap3A_399, %swap3A_400] {strides = array<i32>} : memref<2x512xf32, #tpu.memory_space<vmem>>, vector<1x16xf32>,
    %swap3A_402 = vector.shape_cast %swap3A_401 : vector<1x16xf32> to vector<16xf32>
    %swap3A_403 = vector.shape_cast %broadcast_in_dim3A_139 : vector<16xf32> to vector<1x16xf32>
    tpu.vector_store %arg7[%swap3A_399, %swap3A_400], %swap3A_403 {strides = array<i32>} : memref<2x512xf32, #tpu.memory_space<vmem>>, vector<1x16xf32>,
    %swap3A_404 = arith.constant 0 : i32
    %swap3A_405 = arith.index_cast %swap3A_404 : i32 to index
    %swap3A_406 = arith.constant 352 : index
    %swap3A_407 = tpu.vector_load %arg6[%swap3A_405, %swap3A_406] {strides = array<i32>} : memref<2x512xf32, #tpu.memory_space<vmem>>, vector<1x16xf32>,
    %swap3A_408 = vector.shape_cast %swap3A_407 : vector<1x16xf32> to vector<16xf32>
    %swap3A_409 = vector.shape_cast %broadcast_in_dim3A_137 : vector<16xf32> to vector<1x16xf32>
    tpu.vector_store %arg6[%swap3A_405, %swap3A_406], %swap3A_409 {strides = array<i32>} : memref<2x512xf32, #tpu.memory_space<vmem>>, vector<1x16xf32>,
    %swap3A_410 = arith.constant 0 : i32
    %swap3A_411 = arith.index_cast %swap3A_410 : i32 to index
    %swap3A_412 = arith.constant 352 : index
    %swap3A_413 = tpu.vector_load %arg7[%swap3A_411, %swap3A_412] {strides = array<i32>} : memref<2x512xf32, #tpu.memory_space<vmem>>, vector<1x16xf32>,
    %swap3A_414 = vector.shape_cast %swap3A_413 : vector<1x16xf32> to vector<16xf32>
    %swap3A_415 = vector.shape_cast %broadcast_in_dim3A_139 : vector<16xf32> to vector<1x16xf32>
    tpu.vector_store %arg7[%swap3A_411, %swap3A_412], %swap3A_415 {strides = array<i32>} : memref<2x512xf32, #tpu.memory_space<vmem>>, vector<1x16xf32>,
    %swap3A_416 = arith.constant 0 : i32
    %swap3A_417 = arith.index_cast %swap3A_416 : i32 to index
    %swap3A_418 = arith.constant 368 : index
    %swap3A_419 = tpu.vector_load %arg6[%swap3A_417, %swap3A_418] {strides = array<i32>} : memref<2x512xf32, #tpu.memory_space<vmem>>, vector<1x16xf32>,
    %swap3A_420 = vector.shape_cast %swap3A_419 : vector<1x16xf32> to vector<16xf32>
    %swap3A_421 = vector.shape_cast %broadcast_in_dim3A_137 : vector<16xf32> to vector<1x16xf32>
    tpu.vector_store %arg6[%swap3A_417, %swap3A_418], %swap3A_421 {strides = array<i32>} : memref<2x512xf32, #tpu.memory_space<vmem>>, vector<1x16xf32>,
    %swap3A_422 = arith.constant 0 : i32
    %swap3A_423 = arith.index_cast %swap3A_422 : i32 to index
    %swap3A_424 = arith.constant 368 : index
    %swap3A_425 = tpu.vector_load %arg7[%swap3A_423, %swap3A_424] {strides = array<i32>} : memref<2x512xf32, #tpu.memory_space<vmem>>, vector<1x16xf32>,
    %swap3A_426 = vector.shape_cast %swap3A_425 : vector<1x16xf32> to vector<16xf32>
    %swap3A_427 = vector.shape_cast %broadcast_in_dim3A_139 : vector<16xf32> to vector<1x16xf32>
    tpu.vector_store %arg7[%swap3A_423, %swap3A_424], %swap3A_427 {strides = array<i32>} : memref<2x512xf32, #tpu.memory_space<vmem>>, vector<1x16xf32>,
    %swap3A_428 = arith.constant 0 : i32
    %swap3A_429 = arith.index_cast %swap3A_428 : i32 to index
    %swap3A_430 = arith.constant 384 : index
    %swap3A_431 = tpu.vector_load %arg6[%swap3A_429, %swap3A_430] {strides = array<i32>} : memref<2x512xf32, #tpu.memory_space<vmem>>, vector<1x16xf32>,
    %swap3A_432 = vector.shape_cast %swap3A_431 : vector<1x16xf32> to vector<16xf32>
    %swap3A_433 = vector.shape_cast %broadcast_in_dim3A_137 : vector<16xf32> to vector<1x16xf32>
    tpu.vector_store %arg6[%swap3A_429, %swap3A_430], %swap3A_433 {strides = array<i32>} : memref<2x512xf32, #tpu.memory_space<vmem>>, vector<1x16xf32>,
    %swap3A_434 = arith.constant 0 : i32
    %swap3A_435 = arith.index_cast %swap3A_434 : i32 to index
    %swap3A_436 = arith.constant 384 : index
    %swap3A_437 = tpu.vector_load %arg7[%swap3A_435, %swap3A_436] {strides = array<i32>} : memref<2x512xf32, #tpu.memory_space<vmem>>, vector<1x16xf32>,
    %swap3A_438 = vector.shape_cast %swap3A_437 : vector<1x16xf32> to vector<16xf32>
    %swap3A_439 = vector.shape_cast %broadcast_in_dim3A_139 : vector<16xf32> to vector<1x16xf32>
    tpu.vector_store %arg7[%swap3A_435, %swap3A_436], %swap3A_439 {strides = array<i32>} : memref<2x512xf32, #tpu.memory_space<vmem>>, vector<1x16xf32>,
    %swap3A_440 = arith.constant 0 : i32
    %swap3A_441 = arith.index_cast %swap3A_440 : i32 to index
    %swap3A_442 = arith.constant 400 : index
    %swap3A_443 = tpu.vector_load %arg6[%swap3A_441, %swap3A_442] {strides = array<i32>} : memref<2x512xf32, #tpu.memory_space<vmem>>, vector<1x16xf32>,
    %swap3A_444 = vector.shape_cast %swap3A_443 : vector<1x16xf32> to vector<16xf32>
    %swap3A_445 = vector.shape_cast %broadcast_in_dim3A_137 : vector<16xf32> to vector<1x16xf32>
    tpu.vector_store %arg6[%swap3A_441, %swap3A_442], %swap3A_445 {strides = array<i32>} : memref<2x512xf32, #tpu.memory_space<vmem>>, vector<1x16xf32>,
    %swap3A_446 = arith.constant 0 : i32
    %swap3A_447 = arith.index_cast %swap3A_446 : i32 to index
    %swap3A_448 = arith.constant 400 : index
    %swap3A_449 = tpu.vector_load %arg7[%swap3A_447, %swap3A_448] {strides = array<i32>} : memref<2x512xf32, #tpu.memory_space<vmem>>, vector<1x16xf32>,
    %swap3A_450 = vector.shape_cast %swap3A_449 : vector<1x16xf32> to vector<16xf32>
    %swap3A_451 = vector.shape_cast %broadcast_in_dim3A_139 : vector<16xf32> to vector<1x16xf32>
    tpu.vector_store %arg7[%swap3A_447, %swap3A_448], %swap3A_451 {strides = array<i32>} : memref<2x512xf32, #tpu.memory_space<vmem>>, vector<1x16xf32>,
    %swap3A_452 = arith.constant 0 : i32
    %swap3A_453 = arith.index_cast %swap3A_452 : i32 to index
    %swap3A_454 = arith.constant 416 : index
    %swap3A_455 = tpu.vector_load %arg6[%swap3A_453, %swap3A_454] {strides = array<i32>} : memref<2x512xf32, #tpu.memory_space<vmem>>, vector<1x16xf32>,
    %swap3A_456 = vector.shape_cast %swap3A_455 : vector<1x16xf32> to vector<16xf32>
    %swap3A_457 = vector.shape_cast %broadcast_in_dim3A_137 : vector<16xf32> to vector<1x16xf32>
    tpu.vector_store %arg6[%swap3A_453, %swap3A_454], %swap3A_457 {strides = array<i32>} : memref<2x512xf32, #tpu.memory_space<vmem>>, vector<1x16xf32>,
    %swap3A_458 = arith.constant 0 : i32
    %swap3A_459 = arith.index_cast %swap3A_458 : i32 to index
    %swap3A_460 = arith.constant 416 : index
    %swap3A_461 = tpu.vector_load %arg7[%swap3A_459, %swap3A_460] {strides = array<i32>} : memref<2x512xf32, #tpu.memory_space<vmem>>, vector<1x16xf32>,
    %swap3A_462 = vector.shape_cast %swap3A_461 : vector<1x16xf32> to vector<16xf32>
    %swap3A_463 = vector.shape_cast %broadcast_in_dim3A_139 : vector<16xf32> to vector<1x16xf32>
    tpu.vector_store %arg7[%swap3A_459, %swap3A_460], %swap3A_463 {strides = array<i32>} : memref<2x512xf32, #tpu.memory_space<vmem>>, vector<1x16xf32>,
    %swap3A_464 = arith.constant 0 : i32
    %swap3A_465 = arith.index_cast %swap3A_464 : i32 to index
    %swap3A_466 = arith.constant 432 : index
    %swap3A_467 = tpu.vector_load %arg6[%swap3A_465, %swap3A_466] {strides = array<i32>} : memref<2x512xf32, #tpu.memory_space<vmem>>, vector<1x16xf32>,
    %swap3A_468 = vector.shape_cast %swap3A_467 : vector<1x16xf32> to vector<16xf32>
    %swap3A_469 = vector.shape_cast %broadcast_in_dim3A_137 : vector<16xf32> to vector<1x16xf32>
    tpu.vector_store %arg6[%swap3A_465, %swap3A_466], %swap3A_469 {strides = array<i32>} : memref<2x512xf32, #tpu.memory_space<vmem>>, vector<1x16xf32>,
    %swap3A_470 = arith.constant 0 : i32
    %swap3A_471 = arith.index_cast %swap3A_470 : i32 to index
    %swap3A_472 = arith.constant 432 : index
    %swap3A_473 = tpu.vector_load %arg7[%swap3A_471, %swap3A_472] {strides = array<i32>} : memref<2x512xf32, #tpu.memory_space<vmem>>, vector<1x16xf32>,
    %swap3A_474 = vector.shape_cast %swap3A_473 : vector<1x16xf32> to vector<16xf32>
    %swap3A_475 = vector.shape_cast %broadcast_in_dim3A_139 : vector<16xf32> to vector<1x16xf32>
    tpu.vector_store %arg7[%swap3A_471, %swap3A_472], %swap3A_475 {strides = array<i32>} : memref<2x512xf32, #tpu.memory_space<vmem>>, vector<1x16xf32>,
    %swap3A_476 = arith.constant 0 : i32
    %swap3A_477 = arith.index_cast %swap3A_476 : i32 to index
    %swap3A_478 = arith.constant 448 : index
    %swap3A_479 = tpu.vector_load %arg6[%swap3A_477, %swap3A_478] {strides = array<i32>} : memref<2x512xf32, #tpu.memory_space<vmem>>, vector<1x16xf32>,
    %swap3A_480 = vector.shape_cast %swap3A_479 : vector<1x16xf32> to vector<16xf32>
    %swap3A_481 = vector.shape_cast %broadcast_in_dim3A_137 : vector<16xf32> to vector<1x16xf32>
    tpu.vector_store %arg6[%swap3A_477, %swap3A_478], %swap3A_481 {strides = array<i32>} : memref<2x512xf32, #tpu.memory_space<vmem>>, vector<1x16xf32>,
    %swap3A_482 = arith.constant 0 : i32
    %swap3A_483 = arith.index_cast %swap3A_482 : i32 to index
    %swap3A_484 = arith.constant 448 : index
    %swap3A_485 = tpu.vector_load %arg7[%swap3A_483, %swap3A_484] {strides = array<i32>} : memref<2x512xf32, #tpu.memory_space<vmem>>, vector<1x16xf32>,
    %swap3A_486 = vector.shape_cast %swap3A_485 : vector<1x16xf32> to vector<16xf32>
    %swap3A_487 = vector.shape_cast %broadcast_in_dim3A_139 : vector<16xf32> to vector<1x16xf32>
    tpu.vector_store %arg7[%swap3A_483, %swap3A_484], %swap3A_487 {strides = array<i32>} : memref<2x512xf32, #tpu.memory_space<vmem>>, vector<1x16xf32>,
    %swap3A_488 = arith.constant 0 : i32
    %swap3A_489 = arith.index_cast %swap3A_488 : i32 to index
    %swap3A_490 = arith.constant 464 : index
    %swap3A_491 = tpu.vector_load %arg6[%swap3A_489, %swap3A_490] {strides = array<i32>} : memref<2x512xf32, #tpu.memory_space<vmem>>, vector<1x16xf32>,
    %swap3A_492 = vector.shape_cast %swap3A_491 : vector<1x16xf32> to vector<16xf32>
    %swap3A_493 = vector.shape_cast %broadcast_in_dim3A_137 : vector<16xf32> to vector<1x16xf32>
    tpu.vector_store %arg6[%swap3A_489, %swap3A_490], %swap3A_493 {strides = array<i32>} : memref<2x512xf32, #tpu.memory_space<vmem>>, vector<1x16xf32>,
    %swap3A_494 = arith.constant 0 : i32
    %swap3A_495 = arith.index_cast %swap3A_494 : i32 to index
    %swap3A_496 = arith.constant 464 : index
    %swap3A_497 = tpu.vector_load %arg7[%swap3A_495, %swap3A_496] {strides = array<i32>} : memref<2x512xf32, #tpu.memory_space<vmem>>, vector<1x16xf32>,
    %swap3A_498 = vector.shape_cast %swap3A_497 : vector<1x16xf32> to vector<16xf32>
    %swap3A_499 = vector.shape_cast %broadcast_in_dim3A_139 : vector<16xf32> to vector<1x16xf32>
    tpu.vector_store %arg7[%swap3A_495, %swap3A_496], %swap3A_499 {strides = array<i32>} : memref<2x512xf32, #tpu.memory_space<vmem>>, vector<1x16xf32>,
    %swap3A_500 = arith.constant 0 : i32
    %swap3A_501 = arith.index_cast %swap3A_500 : i32 to index
    %swap3A_502 = arith.constant 480 : index
    %swap3A_503 = tpu.vector_load %arg6[%swap3A_501, %swap3A_502] {strides = array<i32>} : memref<2x512xf32, #tpu.memory_space<vmem>>, vector<1x16xf32>,
    %swap3A_504 = vector.shape_cast %swap3A_503 : vector<1x16xf32> to vector<16xf32>
    %swap3A_505 = vector.shape_cast %broadcast_in_dim3A_137 : vector<16xf32> to vector<1x16xf32>
    tpu.vector_store %arg6[%swap3A_501, %swap3A_502], %swap3A_505 {strides = array<i32>} : memref<2x512xf32, #tpu.memory_space<vmem>>, vector<1x16xf32>,
    %swap3A_506 = arith.constant 0 : i32
    %swap3A_507 = arith.index_cast %swap3A_506 : i32 to index
    %swap3A_508 = arith.constant 480 : index
    %swap3A_509 = tpu.vector_load %arg7[%swap3A_507, %swap3A_508] {strides = array<i32>} : memref<2x512xf32, #tpu.memory_space<vmem>>, vector<1x16xf32>,
    %swap3A_510 = vector.shape_cast %swap3A_509 : vector<1x16xf32> to vector<16xf32>
    %swap3A_511 = vector.shape_cast %broadcast_in_dim3A_139 : vector<16xf32> to vector<1x16xf32>
    tpu.vector_store %arg7[%swap3A_507, %swap3A_508], %swap3A_511 {strides = array<i32>} : memref<2x512xf32, #tpu.memory_space<vmem>>, vector<1x16xf32>,
    %swap3A_512 = arith.constant 0 : i32
    %swap3A_513 = arith.index_cast %swap3A_512 : i32 to index
    %swap3A_514 = arith.constant 496 : index
    %swap3A_515 = tpu.vector_load %arg6[%swap3A_513, %swap3A_514] {strides = array<i32>} : memref<2x512xf32, #tpu.memory_space<vmem>>, vector<1x16xf32>,
    %swap3A_516 = vector.shape_cast %swap3A_515 : vector<1x16xf32> to vector<16xf32>
    %swap3A_517 = vector.shape_cast %broadcast_in_dim3A_137 : vector<16xf32> to vector<1x16xf32>
    tpu.vector_store %arg6[%swap3A_513, %swap3A_514], %swap3A_517 {strides = array<i32>} : memref<2x512xf32, #tpu.memory_space<vmem>>, vector<1x16xf32>,
    %swap3A_518 = arith.constant 0 : i32
    %swap3A_519 = arith.index_cast %swap3A_518 : i32 to index
    %swap3A_520 = arith.constant 496 : index
    %swap3A_521 = tpu.vector_load %arg7[%swap3A_519, %swap3A_520] {strides = array<i32>} : memref<2x512xf32, #tpu.memory_space<vmem>>, vector<1x16xf32>,
    %swap3A_522 = vector.shape_cast %swap3A_521 : vector<1x16xf32> to vector<16xf32>
    %swap3A_523 = vector.shape_cast %broadcast_in_dim3A_139 : vector<16xf32> to vector<1x16xf32>
    tpu.vector_store %arg7[%swap3A_519, %swap3A_520], %swap3A_523 {strides = array<i32>} : memref<2x512xf32, #tpu.memory_space<vmem>>, vector<1x16xf32>,
    %swap3A_524 = arith.constant 1 : i32
    %swap3A_525 = arith.index_cast %swap3A_524 : i32 to index
    %swap3A_526 = arith.constant 0 : index
    %swap3A_527 = tpu.vector_load %arg6[%swap3A_525, %swap3A_526] {strides = array<i32>} : memref<2x512xf32, #tpu.memory_space<vmem>>, vector<1x16xf32>,
    %swap3A_528 = vector.shape_cast %swap3A_527 : vector<1x16xf32> to vector<16xf32>
    %swap3A_529 = vector.shape_cast %broadcast_in_dim3A_137 : vector<16xf32> to vector<1x16xf32>
    tpu.vector_store %arg6[%swap3A_525, %swap3A_526], %swap3A_529 {strides = array<i32>} : memref<2x512xf32, #tpu.memory_space<vmem>>, vector<1x16xf32>,
    %swap3A_530 = arith.constant 1 : i32
    %swap3A_531 = arith.index_cast %swap3A_530 : i32 to index
    %swap3A_532 = arith.constant 0 : index
    %swap3A_533 = tpu.vector_load %arg7[%swap3A_531, %swap3A_532] {strides = array<i32>} : memref<2x512xf32, #tpu.memory_space<vmem>>, vector<1x16xf32>,
    %swap3A_534 = vector.shape_cast %swap3A_533 : vector<1x16xf32> to vector<16xf32>
    %swap3A_535 = vector.shape_cast %broadcast_in_dim3A_139 : vector<16xf32> to vector<1x16xf32>
    tpu.vector_store %arg7[%swap3A_531, %swap3A_532], %swap3A_535 {strides = array<i32>} : memref<2x512xf32, #tpu.memory_space<vmem>>, vector<1x16xf32>,
    %swap3A_536 = arith.constant 1 : i32
    %swap3A_537 = arith.index_cast %swap3A_536 : i32 to index
    %swap3A_538 = arith.constant 16 : index
    %swap3A_539 = tpu.vector_load %arg6[%swap3A_537, %swap3A_538] {strides = array<i32>} : memref<2x512xf32, #tpu.memory_space<vmem>>, vector<1x16xf32>,
    %swap3A_540 = vector.shape_cast %swap3A_539 : vector<1x16xf32> to vector<16xf32>
    %swap3A_541 = vector.shape_cast %broadcast_in_dim3A_137 : vector<16xf32> to vector<1x16xf32>
    tpu.vector_store %arg6[%swap3A_537, %swap3A_538], %swap3A_541 {strides = array<i32>} : memref<2x512xf32, #tpu.memory_space<vmem>>, vector<1x16xf32>,
    %swap3A_542 = arith.constant 1 : i32
    %swap3A_543 = arith.index_cast %swap3A_542 : i32 to index
    %swap3A_544 = arith.constant 16 : index
    %swap3A_545 = tpu.vector_load %arg7[%swap3A_543, %swap3A_544] {strides = array<i32>} : memref<2x512xf32, #tpu.memory_space<vmem>>, vector<1x16xf32>,
    %swap3A_546 = vector.shape_cast %swap3A_545 : vector<1x16xf32> to vector<16xf32>
    %swap3A_547 = vector.shape_cast %broadcast_in_dim3A_139 : vector<16xf32> to vector<1x16xf32>
    tpu.vector_store %arg7[%swap3A_543, %swap3A_544], %swap3A_547 {strides = array<i32>} : memref<2x512xf32, #tpu.memory_space<vmem>>, vector<1x16xf32>,
    %swap3A_548 = arith.constant 1 : i32
    %swap3A_549 = arith.index_cast %swap3A_548 : i32 to index
    %swap3A_550 = arith.constant 32 : index
    %swap3A_551 = tpu.vector_load %arg6[%swap3A_549, %swap3A_550] {strides = array<i32>} : memref<2x512xf32, #tpu.memory_space<vmem>>, vector<1x16xf32>,
    %swap3A_552 = vector.shape_cast %swap3A_551 : vector<1x16xf32> to vector<16xf32>
    %swap3A_553 = vector.shape_cast %broadcast_in_dim3A_137 : vector<16xf32> to vector<1x16xf32>
    tpu.vector_store %arg6[%swap3A_549, %swap3A_550], %swap3A_553 {strides = array<i32>} : memref<2x512xf32, #tpu.memory_space<vmem>>, vector<1x16xf32>,
    %swap3A_554 = arith.constant 1 : i32
    %swap3A_555 = arith.index_cast %swap3A_554 : i32 to index
    %swap3A_556 = arith.constant 32 : index
    %swap3A_557 = tpu.vector_load %arg7[%swap3A_555, %swap3A_556] {strides = array<i32>} : memref<2x512xf32, #tpu.memory_space<vmem>>, vector<1x16xf32>,
    %swap3A_558 = vector.shape_cast %swap3A_557 : vector<1x16xf32> to vector<16xf32>
    %swap3A_559 = vector.shape_cast %broadcast_in_dim3A_139 : vector<16xf32> to vector<1x16xf32>
    tpu.vector_store %arg7[%swap3A_555, %swap3A_556], %swap3A_559 {strides = array<i32>} : memref<2x512xf32, #tpu.memory_space<vmem>>, vector<1x16xf32>,
    %swap3A_560 = arith.constant 1 : i32
    %swap3A_561 = arith.index_cast %swap3A_560 : i32 to index
    %swap3A_562 = arith.constant 48 : index
    %swap3A_563 = tpu.vector_load %arg6[%swap3A_561, %swap3A_562] {strides = array<i32>} : memref<2x512xf32, #tpu.memory_space<vmem>>, vector<1x16xf32>,
    %swap3A_564 = vector.shape_cast %swap3A_563 : vector<1x16xf32> to vector<16xf32>
    %swap3A_565 = vector.shape_cast %broadcast_in_dim3A_137 : vector<16xf32> to vector<1x16xf32>
    tpu.vector_store %arg6[%swap3A_561, %swap3A_562], %swap3A_565 {strides = array<i32>} : memref<2x512xf32, #tpu.memory_space<vmem>>, vector<1x16xf32>,
    %swap3A_566 = arith.constant 1 : i32
    %swap3A_567 = arith.index_cast %swap3A_566 : i32 to index
    %swap3A_568 = arith.constant 48 : index
    %swap3A_569 = tpu.vector_load %arg7[%swap3A_567, %swap3A_568] {strides = array<i32>} : memref<2x512xf32, #tpu.memory_space<vmem>>, vector<1x16xf32>,
    %swap3A_570 = vector.shape_cast %swap3A_569 : vector<1x16xf32> to vector<16xf32>
    %swap3A_571 = vector.shape_cast %broadcast_in_dim3A_139 : vector<16xf32> to vector<1x16xf32>
    tpu.vector_store %arg7[%swap3A_567, %swap3A_568], %swap3A_571 {strides = array<i32>} : memref<2x512xf32, #tpu.memory_space<vmem>>, vector<1x16xf32>,
    %swap3A_572 = arith.constant 1 : i32
    %swap3A_573 = arith.index_cast %swap3A_572 : i32 to index
    %swap3A_574 = arith.constant 64 : index
    %swap3A_575 = tpu.vector_load %arg6[%swap3A_573, %swap3A_574] {strides = array<i32>} : memref<2x512xf32, #tpu.memory_space<vmem>>, vector<1x16xf32>,
    %swap3A_576 = vector.shape_cast %swap3A_575 : vector<1x16xf32> to vector<16xf32>
    %swap3A_577 = vector.shape_cast %broadcast_in_dim3A_137 : vector<16xf32> to vector<1x16xf32>
    tpu.vector_store %arg6[%swap3A_573, %swap3A_574], %swap3A_577 {strides = array<i32>} : memref<2x512xf32, #tpu.memory_space<vmem>>, vector<1x16xf32>,
    %swap3A_578 = arith.constant 1 : i32
    %swap3A_579 = arith.index_cast %swap3A_578 : i32 to index
    %swap3A_580 = arith.constant 64 : index
    %swap3A_581 = tpu.vector_load %arg7[%swap3A_579, %swap3A_580] {strides = array<i32>} : memref<2x512xf32, #tpu.memory_space<vmem>>, vector<1x16xf32>,
    %swap3A_582 = vector.shape_cast %swap3A_581 : vector<1x16xf32> to vector<16xf32>
    %swap3A_583 = vector.shape_cast %broadcast_in_dim3A_139 : vector<16xf32> to vector<1x16xf32>
    tpu.vector_store %arg7[%swap3A_579, %swap3A_580], %swap3A_583 {strides = array<i32>} : memref<2x512xf32, #tpu.memory_space<vmem>>, vector<1x16xf32>,
    %swap3A_584 = arith.constant 1 : i32
    %swap3A_585 = arith.index_cast %swap3A_584 : i32 to index
    %swap3A_586 = arith.constant 80 : index
    %swap3A_587 = tpu.vector_load %arg6[%swap3A_585, %swap3A_586] {strides = array<i32>} : memref<2x512xf32, #tpu.memory_space<vmem>>, vector<1x16xf32>,
    %swap3A_588 = vector.shape_cast %swap3A_587 : vector<1x16xf32> to vector<16xf32>
    %swap3A_589 = vector.shape_cast %broadcast_in_dim3A_137 : vector<16xf32> to vector<1x16xf32>
    tpu.vector_store %arg6[%swap3A_585, %swap3A_586], %swap3A_589 {strides = array<i32>} : memref<2x512xf32, #tpu.memory_space<vmem>>, vector<1x16xf32>,
    %swap3A_590 = arith.constant 1 : i32
    %swap3A_591 = arith.index_cast %swap3A_590 : i32 to index
    %swap3A_592 = arith.constant 80 : index
    %swap3A_593 = tpu.vector_load %arg7[%swap3A_591, %swap3A_592] {strides = array<i32>} : memref<2x512xf32, #tpu.memory_space<vmem>>, vector<1x16xf32>,
    %swap3A_594 = vector.shape_cast %swap3A_593 : vector<1x16xf32> to vector<16xf32>
    %swap3A_595 = vector.shape_cast %broadcast_in_dim3A_139 : vector<16xf32> to vector<1x16xf32>
    tpu.vector_store %arg7[%swap3A_591, %swap3A_592], %swap3A_595 {strides = array<i32>} : memref<2x512xf32, #tpu.memory_space<vmem>>, vector<1x16xf32>,
    %swap3A_596 = arith.constant 1 : i32
    %swap3A_597 = arith.index_cast %swap3A_596 : i32 to index
    %swap3A_598 = arith.constant 96 : index
    %swap3A_599 = tpu.vector_load %arg6[%swap3A_597, %swap3A_598] {strides = array<i32>} : memref<2x512xf32, #tpu.memory_space<vmem>>, vector<1x16xf32>,
    %swap3A_600 = vector.shape_cast %swap3A_599 : vector<1x16xf32> to vector<16xf32>
    %swap3A_601 = vector.shape_cast %broadcast_in_dim3A_137 : vector<16xf32> to vector<1x16xf32>
    tpu.vector_store %arg6[%swap3A_597, %swap3A_598], %swap3A_601 {strides = array<i32>} : memref<2x512xf32, #tpu.memory_space<vmem>>, vector<1x16xf32>,
    %swap3A_602 = arith.constant 1 : i32
    %swap3A_603 = arith.index_cast %swap3A_602 : i32 to index
    %swap3A_604 = arith.constant 96 : index
    %swap3A_605 = tpu.vector_load %arg7[%swap3A_603, %swap3A_604] {strides = array<i32>} : memref<2x512xf32, #tpu.memory_space<vmem>>, vector<1x16xf32>,
    %swap3A_606 = vector.shape_cast %swap3A_605 : vector<1x16xf32> to vector<16xf32>
    %swap3A_607 = vector.shape_cast %broadcast_in_dim3A_139 : vector<16xf32> to vector<1x16xf32>
    tpu.vector_store %arg7[%swap3A_603, %swap3A_604], %swap3A_607 {strides = array<i32>} : memref<2x512xf32, #tpu.memory_space<vmem>>, vector<1x16xf32>,
    %swap3A_608 = arith.constant 1 : i32
    %swap3A_609 = arith.index_cast %swap3A_608 : i32 to index
    %swap3A_610 = arith.constant 112 : index
    %swap3A_611 = tpu.vector_load %arg6[%swap3A_609, %swap3A_610] {strides = array<i32>} : memref<2x512xf32, #tpu.memory_space<vmem>>, vector<1x16xf32>,
    %swap3A_612 = vector.shape_cast %swap3A_611 : vector<1x16xf32> to vector<16xf32>
    %swap3A_613 = vector.shape_cast %broadcast_in_dim3A_137 : vector<16xf32> to vector<1x16xf32>
    tpu.vector_store %arg6[%swap3A_609, %swap3A_610], %swap3A_613 {strides = array<i32>} : memref<2x512xf32, #tpu.memory_space<vmem>>, vector<1x16xf32>,
    %swap3A_614 = arith.constant 1 : i32
    %swap3A_615 = arith.index_cast %swap3A_614 : i32 to index
    %swap3A_616 = arith.constant 112 : index
    %swap3A_617 = tpu.vector_load %arg7[%swap3A_615, %swap3A_616] {strides = array<i32>} : memref<2x512xf32, #tpu.memory_space<vmem>>, vector<1x16xf32>,
    %swap3A_618 = vector.shape_cast %swap3A_617 : vector<1x16xf32> to vector<16xf32>
    %swap3A_619 = vector.shape_cast %broadcast_in_dim3A_139 : vector<16xf32> to vector<1x16xf32>
    tpu.vector_store %arg7[%swap3A_615, %swap3A_616], %swap3A_619 {strides = array<i32>} : memref<2x512xf32, #tpu.memory_space<vmem>>, vector<1x16xf32>,
    %swap3A_620 = arith.constant 1 : i32
    %swap3A_621 = arith.index_cast %swap3A_620 : i32 to index
    %swap3A_622 = arith.constant 128 : index
    %swap3A_623 = tpu.vector_load %arg6[%swap3A_621, %swap3A_622] {strides = array<i32>} : memref<2x512xf32, #tpu.memory_space<vmem>>, vector<1x16xf32>,
    %swap3A_624 = vector.shape_cast %swap3A_623 : vector<1x16xf32> to vector<16xf32>
    %swap3A_625 = vector.shape_cast %broadcast_in_dim3A_137 : vector<16xf32> to vector<1x16xf32>
    tpu.vector_store %arg6[%swap3A_621, %swap3A_622], %swap3A_625 {strides = array<i32>} : memref<2x512xf32, #tpu.memory_space<vmem>>, vector<1x16xf32>,
    %swap3A_626 = arith.constant 1 : i32
    %swap3A_627 = arith.index_cast %swap3A_626 : i32 to index
    %swap3A_628 = arith.constant 128 : index
    %swap3A_629 = tpu.vector_load %arg7[%swap3A_627, %swap3A_628] {strides = array<i32>} : memref<2x512xf32, #tpu.memory_space<vmem>>, vector<1x16xf32>,
    %swap3A_630 = vector.shape_cast %swap3A_629 : vector<1x16xf32> to vector<16xf32>
    %swap3A_631 = vector.shape_cast %broadcast_in_dim3A_139 : vector<16xf32> to vector<1x16xf32>
    tpu.vector_store %arg7[%swap3A_627, %swap3A_628], %swap3A_631 {strides = array<i32>} : memref<2x512xf32, #tpu.memory_space<vmem>>, vector<1x16xf32>,
    %swap3A_632 = arith.constant 1 : i32
    %swap3A_633 = arith.index_cast %swap3A_632 : i32 to index
    %swap3A_634 = arith.constant 144 : index
    %swap3A_635 = tpu.vector_load %arg6[%swap3A_633, %swap3A_634] {strides = array<i32>} : memref<2x512xf32, #tpu.memory_space<vmem>>, vector<1x16xf32>,
    %swap3A_636 = vector.shape_cast %swap3A_635 : vector<1x16xf32> to vector<16xf32>
    %swap3A_637 = vector.shape_cast %broadcast_in_dim3A_137 : vector<16xf32> to vector<1x16xf32>
    tpu.vector_store %arg6[%swap3A_633, %swap3A_634], %swap3A_637 {strides = array<i32>} : memref<2x512xf32, #tpu.memory_space<vmem>>, vector<1x16xf32>,
    %swap3A_638 = arith.constant 1 : i32
    %swap3A_639 = arith.index_cast %swap3A_638 : i32 to index
    %swap3A_640 = arith.constant 144 : index
    %swap3A_641 = tpu.vector_load %arg7[%swap3A_639, %swap3A_640] {strides = array<i32>} : memref<2x512xf32, #tpu.memory_space<vmem>>, vector<1x16xf32>,
    %swap3A_642 = vector.shape_cast %swap3A_641 : vector<1x16xf32> to vector<16xf32>
    %swap3A_643 = vector.shape_cast %broadcast_in_dim3A_139 : vector<16xf32> to vector<1x16xf32>
    tpu.vector_store %arg7[%swap3A_639, %swap3A_640], %swap3A_643 {strides = array<i32>} : memref<2x512xf32, #tpu.memory_space<vmem>>, vector<1x16xf32>,
    %swap3A_644 = arith.constant 1 : i32
    %swap3A_645 = arith.index_cast %swap3A_644 : i32 to index
    %swap3A_646 = arith.constant 160 : index
    %swap3A_647 = tpu.vector_load %arg6[%swap3A_645, %swap3A_646] {strides = array<i32>} : memref<2x512xf32, #tpu.memory_space<vmem>>, vector<1x16xf32>,
    %swap3A_648 = vector.shape_cast %swap3A_647 : vector<1x16xf32> to vector<16xf32>
    %swap3A_649 = vector.shape_cast %broadcast_in_dim3A_137 : vector<16xf32> to vector<1x16xf32>
    tpu.vector_store %arg6[%swap3A_645, %swap3A_646], %swap3A_649 {strides = array<i32>} : memref<2x512xf32, #tpu.memory_space<vmem>>, vector<1x16xf32>,
    %swap3A_650 = arith.constant 1 : i32
    %swap3A_651 = arith.index_cast %swap3A_650 : i32 to index
    %swap3A_652 = arith.constant 160 : index
    %swap3A_653 = tpu.vector_load %arg7[%swap3A_651, %swap3A_652] {strides = array<i32>} : memref<2x512xf32, #tpu.memory_space<vmem>>, vector<1x16xf32>,
    %swap3A_654 = vector.shape_cast %swap3A_653 : vector<1x16xf32> to vector<16xf32>
    %swap3A_655 = vector.shape_cast %broadcast_in_dim3A_139 : vector<16xf32> to vector<1x16xf32>
    tpu.vector_store %arg7[%swap3A_651, %swap3A_652], %swap3A_655 {strides = array<i32>} : memref<2x512xf32, #tpu.memory_space<vmem>>, vector<1x16xf32>,
    %swap3A_656 = arith.constant 1 : i32
    %swap3A_657 = arith.index_cast %swap3A_656 : i32 to index
    %swap3A_658 = arith.constant 176 : index
    %swap3A_659 = tpu.vector_load %arg6[%swap3A_657, %swap3A_658] {strides = array<i32>} : memref<2x512xf32, #tpu.memory_space<vmem>>, vector<1x16xf32>,
    %swap3A_660 = vector.shape_cast %swap3A_659 : vector<1x16xf32> to vector<16xf32>
    %swap3A_661 = vector.shape_cast %broadcast_in_dim3A_137 : vector<16xf32> to vector<1x16xf32>
    tpu.vector_store %arg6[%swap3A_657, %swap3A_658], %swap3A_661 {strides = array<i32>} : memref<2x512xf32, #tpu.memory_space<vmem>>, vector<1x16xf32>,
    %swap3A_662 = arith.constant 1 : i32
    %swap3A_663 = arith.index_cast %swap3A_662 : i32 to index
    %swap3A_664 = arith.constant 176 : index
    %swap3A_665 = tpu.vector_load %arg7[%swap3A_663, %swap3A_664] {strides = array<i32>} : memref<2x512xf32, #tpu.memory_space<vmem>>, vector<1x16xf32>,
    %swap3A_666 = vector.shape_cast %swap3A_665 : vector<1x16xf32> to vector<16xf32>
    %swap3A_667 = vector.shape_cast %broadcast_in_dim3A_139 : vector<16xf32> to vector<1x16xf32>
    tpu.vector_store %arg7[%swap3A_663, %swap3A_664], %swap3A_667 {strides = array<i32>} : memref<2x512xf32, #tpu.memory_space<vmem>>, vector<1x16xf32>,
    %swap3A_668 = arith.constant 1 : i32
    %swap3A_669 = arith.index_cast %swap3A_668 : i32 to index
    %swap3A_670 = arith.constant 192 : index
    %swap3A_671 = tpu.vector_load %arg6[%swap3A_669, %swap3A_670] {strides = array<i32>} : memref<2x512xf32, #tpu.memory_space<vmem>>, vector<1x16xf32>,
    %swap3A_672 = vector.shape_cast %swap3A_671 : vector<1x16xf32> to vector<16xf32>
    %swap3A_673 = vector.shape_cast %broadcast_in_dim3A_137 : vector<16xf32> to vector<1x16xf32>
    tpu.vector_store %arg6[%swap3A_669, %swap3A_670], %swap3A_673 {strides = array<i32>} : memref<2x512xf32, #tpu.memory_space<vmem>>, vector<1x16xf32>,
    %swap3A_674 = arith.constant 1 : i32
    %swap3A_675 = arith.index_cast %swap3A_674 : i32 to index
    %swap3A_676 = arith.constant 192 : index
    %swap3A_677 = tpu.vector_load %arg7[%swap3A_675, %swap3A_676] {strides = array<i32>} : memref<2x512xf32, #tpu.memory_space<vmem>>, vector<1x16xf32>,
    %swap3A_678 = vector.shape_cast %swap3A_677 : vector<1x16xf32> to vector<16xf32>
    %swap3A_679 = vector.shape_cast %broadcast_in_dim3A_139 : vector<16xf32> to vector<1x16xf32>
    tpu.vector_store %arg7[%swap3A_675, %swap3A_676], %swap3A_679 {strides = array<i32>} : memref<2x512xf32, #tpu.memory_space<vmem>>, vector<1x16xf32>,
    %swap3A_680 = arith.constant 1 : i32
    %swap3A_681 = arith.index_cast %swap3A_680 : i32 to index
    %swap3A_682 = arith.constant 208 : index
    %swap3A_683 = tpu.vector_load %arg6[%swap3A_681, %swap3A_682] {strides = array<i32>} : memref<2x512xf32, #tpu.memory_space<vmem>>, vector<1x16xf32>,
    %swap3A_684 = vector.shape_cast %swap3A_683 : vector<1x16xf32> to vector<16xf32>
    %swap3A_685 = vector.shape_cast %broadcast_in_dim3A_137 : vector<16xf32> to vector<1x16xf32>
    tpu.vector_store %arg6[%swap3A_681, %swap3A_682], %swap3A_685 {strides = array<i32>} : memref<2x512xf32, #tpu.memory_space<vmem>>, vector<1x16xf32>,
    %swap3A_686 = arith.constant 1 : i32
    %swap3A_687 = arith.index_cast %swap3A_686 : i32 to index
    %swap3A_688 = arith.constant 208 : index
    %swap3A_689 = tpu.vector_load %arg7[%swap3A_687, %swap3A_688] {strides = array<i32>} : memref<2x512xf32, #tpu.memory_space<vmem>>, vector<1x16xf32>,
    %swap3A_690 = vector.shape_cast %swap3A_689 : vector<1x16xf32> to vector<16xf32>
    %swap3A_691 = vector.shape_cast %broadcast_in_dim3A_139 : vector<16xf32> to vector<1x16xf32>
    tpu.vector_store %arg7[%swap3A_687, %swap3A_688], %swap3A_691 {strides = array<i32>} : memref<2x512xf32, #tpu.memory_space<vmem>>, vector<1x16xf32>,
    %swap3A_692 = arith.constant 1 : i32
    %swap3A_693 = arith.index_cast %swap3A_692 : i32 to index
    %swap3A_694 = arith.constant 224 : index
    %swap3A_695 = tpu.vector_load %arg6[%swap3A_693, %swap3A_694] {strides = array<i32>} : memref<2x512xf32, #tpu.memory_space<vmem>>, vector<1x16xf32>,
    %swap3A_696 = vector.shape_cast %swap3A_695 : vector<1x16xf32> to vector<16xf32>
    %swap3A_697 = vector.shape_cast %broadcast_in_dim3A_137 : vector<16xf32> to vector<1x16xf32>
    tpu.vector_store %arg6[%swap3A_693, %swap3A_694], %swap3A_697 {strides = array<i32>} : memref<2x512xf32, #tpu.memory_space<vmem>>, vector<1x16xf32>,
    %swap3A_698 = arith.constant 1 : i32
    %swap3A_699 = arith.index_cast %swap3A_698 : i32 to index
    %swap3A_700 = arith.constant 224 : index
    %swap3A_701 = tpu.vector_load %arg7[%swap3A_699, %swap3A_700] {strides = array<i32>} : memref<2x512xf32, #tpu.memory_space<vmem>>, vector<1x16xf32>,
    %swap3A_702 = vector.shape_cast %swap3A_701 : vector<1x16xf32> to vector<16xf32>
    %swap3A_703 = vector.shape_cast %broadcast_in_dim3A_139 : vector<16xf32> to vector<1x16xf32>
    tpu.vector_store %arg7[%swap3A_699, %swap3A_700], %swap3A_703 {strides = array<i32>} : memref<2x512xf32, #tpu.memory_space<vmem>>, vector<1x16xf32>,
    %swap3A_704 = arith.constant 1 : i32
    %swap3A_705 = arith.index_cast %swap3A_704 : i32 to index
    %swap3A_706 = arith.constant 240 : index
    %swap3A_707 = tpu.vector_load %arg6[%swap3A_705, %swap3A_706] {strides = array<i32>} : memref<2x512xf32, #tpu.memory_space<vmem>>, vector<1x16xf32>,
    %swap3A_708 = vector.shape_cast %swap3A_707 : vector<1x16xf32> to vector<16xf32>
    %swap3A_709 = vector.shape_cast %broadcast_in_dim3A_137 : vector<16xf32> to vector<1x16xf32>
    tpu.vector_store %arg6[%swap3A_705, %swap3A_706], %swap3A_709 {strides = array<i32>} : memref<2x512xf32, #tpu.memory_space<vmem>>, vector<1x16xf32>,
    %swap3A_710 = arith.constant 1 : i32
    %swap3A_711 = arith.index_cast %swap3A_710 : i32 to index
    %swap3A_712 = arith.constant 240 : index
    %swap3A_713 = tpu.vector_load %arg7[%swap3A_711, %swap3A_712] {strides = array<i32>} : memref<2x512xf32, #tpu.memory_space<vmem>>, vector<1x16xf32>,
    %swap3A_714 = vector.shape_cast %swap3A_713 : vector<1x16xf32> to vector<16xf32>
    %swap3A_715 = vector.shape_cast %broadcast_in_dim3A_139 : vector<16xf32> to vector<1x16xf32>
    tpu.vector_store %arg7[%swap3A_711, %swap3A_712], %swap3A_715 {strides = array<i32>} : memref<2x512xf32, #tpu.memory_space<vmem>>, vector<1x16xf32>,
    %swap3A_716 = arith.constant 1 : i32
    %swap3A_717 = arith.index_cast %swap3A_716 : i32 to index
    %swap3A_718 = arith.constant 256 : index
    %swap3A_719 = tpu.vector_load %arg6[%swap3A_717, %swap3A_718] {strides = array<i32>} : memref<2x512xf32, #tpu.memory_space<vmem>>, vector<1x16xf32>,
    %swap3A_720 = vector.shape_cast %swap3A_719 : vector<1x16xf32> to vector<16xf32>
    %swap3A_721 = vector.shape_cast %broadcast_in_dim3A_137 : vector<16xf32> to vector<1x16xf32>
    tpu.vector_store %arg6[%swap3A_717, %swap3A_718], %swap3A_721 {strides = array<i32>} : memref<2x512xf32, #tpu.memory_space<vmem>>, vector<1x16xf32>,
    %swap3A_722 = arith.constant 1 : i32
    %swap3A_723 = arith.index_cast %swap3A_722 : i32 to index
    %swap3A_724 = arith.constant 256 : index
    %swap3A_725 = tpu.vector_load %arg7[%swap3A_723, %swap3A_724] {strides = array<i32>} : memref<2x512xf32, #tpu.memory_space<vmem>>, vector<1x16xf32>,
    %swap3A_726 = vector.shape_cast %swap3A_725 : vector<1x16xf32> to vector<16xf32>
    %swap3A_727 = vector.shape_cast %broadcast_in_dim3A_139 : vector<16xf32> to vector<1x16xf32>
    tpu.vector_store %arg7[%swap3A_723, %swap3A_724], %swap3A_727 {strides = array<i32>} : memref<2x512xf32, #tpu.memory_space<vmem>>, vector<1x16xf32>,
    %swap3A_728 = arith.constant 1 : i32
    %swap3A_729 = arith.index_cast %swap3A_728 : i32 to index
    %swap3A_730 = arith.constant 272 : index
    %swap3A_731 = tpu.vector_load %arg6[%swap3A_729, %swap3A_730] {strides = array<i32>} : memref<2x512xf32, #tpu.memory_space<vmem>>, vector<1x16xf32>,
    %swap3A_732 = vector.shape_cast %swap3A_731 : vector<1x16xf32> to vector<16xf32>
    %swap3A_733 = vector.shape_cast %broadcast_in_dim3A_137 : vector<16xf32> to vector<1x16xf32>
    tpu.vector_store %arg6[%swap3A_729, %swap3A_730], %swap3A_733 {strides = array<i32>} : memref<2x512xf32, #tpu.memory_space<vmem>>, vector<1x16xf32>,
    %swap3A_734 = arith.constant 1 : i32
    %swap3A_735 = arith.index_cast %swap3A_734 : i32 to index
    %swap3A_736 = arith.constant 272 : index
    %swap3A_737 = tpu.vector_load %arg7[%swap3A_735, %swap3A_736] {strides = array<i32>} : memref<2x512xf32, #tpu.memory_space<vmem>>, vector<1x16xf32>,
    %swap3A_738 = vector.shape_cast %swap3A_737 : vector<1x16xf32> to vector<16xf32>
    %swap3A_739 = vector.shape_cast %broadcast_in_dim3A_139 : vector<16xf32> to vector<1x16xf32>
    tpu.vector_store %arg7[%swap3A_735, %swap3A_736], %swap3A_739 {strides = array<i32>} : memref<2x512xf32, #tpu.memory_space<vmem>>, vector<1x16xf32>,
    %swap3A_740 = arith.constant 1 : i32
    %swap3A_741 = arith.index_cast %swap3A_740 : i32 to index
    %swap3A_742 = arith.constant 288 : index
    %swap3A_743 = tpu.vector_load %arg6[%swap3A_741, %swap3A_742] {strides = array<i32>} : memref<2x512xf32, #tpu.memory_space<vmem>>, vector<1x16xf32>,
    %swap3A_744 = vector.shape_cast %swap3A_743 : vector<1x16xf32> to vector<16xf32>
    %swap3A_745 = vector.shape_cast %broadcast_in_dim3A_137 : vector<16xf32> to vector<1x16xf32>
    tpu.vector_store %arg6[%swap3A_741, %swap3A_742], %swap3A_745 {strides = array<i32>} : memref<2x512xf32, #tpu.memory_space<vmem>>, vector<1x16xf32>,
    %swap3A_746 = arith.constant 1 : i32
    %swap3A_747 = arith.index_cast %swap3A_746 : i32 to index
    %swap3A_748 = arith.constant 288 : index
    %swap3A_749 = tpu.vector_load %arg7[%swap3A_747, %swap3A_748] {strides = array<i32>} : memref<2x512xf32, #tpu.memory_space<vmem>>, vector<1x16xf32>,
    %swap3A_750 = vector.shape_cast %swap3A_749 : vector<1x16xf32> to vector<16xf32>
    %swap3A_751 = vector.shape_cast %broadcast_in_dim3A_139 : vector<16xf32> to vector<1x16xf32>
    tpu.vector_store %arg7[%swap3A_747, %swap3A_748], %swap3A_751 {strides = array<i32>} : memref<2x512xf32, #tpu.memory_space<vmem>>, vector<1x16xf32>,
    %swap3A_752 = arith.constant 1 : i32
    %swap3A_753 = arith.index_cast %swap3A_752 : i32 to index
    %swap3A_754 = arith.constant 304 : index
    %swap3A_755 = tpu.vector_load %arg6[%swap3A_753, %swap3A_754] {strides = array<i32>} : memref<2x512xf32, #tpu.memory_space<vmem>>, vector<1x16xf32>,
    %swap3A_756 = vector.shape_cast %swap3A_755 : vector<1x16xf32> to vector<16xf32>
    %swap3A_757 = vector.shape_cast %broadcast_in_dim3A_137 : vector<16xf32> to vector<1x16xf32>
    tpu.vector_store %arg6[%swap3A_753, %swap3A_754], %swap3A_757 {strides = array<i32>} : memref<2x512xf32, #tpu.memory_space<vmem>>, vector<1x16xf32>,
    %swap3A_758 = arith.constant 1 : i32
    %swap3A_759 = arith.index_cast %swap3A_758 : i32 to index
    %swap3A_760 = arith.constant 304 : index
    %swap3A_761 = tpu.vector_load %arg7[%swap3A_759, %swap3A_760] {strides = array<i32>} : memref<2x512xf32, #tpu.memory_space<vmem>>, vector<1x16xf32>,
    %swap3A_762 = vector.shape_cast %swap3A_761 : vector<1x16xf32> to vector<16xf32>
    %swap3A_763 = vector.shape_cast %broadcast_in_dim3A_139 : vector<16xf32> to vector<1x16xf32>
    tpu.vector_store %arg7[%swap3A_759, %swap3A_760], %swap3A_763 {strides = array<i32>} : memref<2x512xf32, #tpu.memory_space<vmem>>, vector<1x16xf32>,
    %swap3A_764 = arith.constant 1 : i32
    %swap3A_765 = arith.index_cast %swap3A_764 : i32 to index
    %swap3A_766 = arith.constant 320 : index
    %swap3A_767 = tpu.vector_load %arg6[%swap3A_765, %swap3A_766] {strides = array<i32>} : memref<2x512xf32, #tpu.memory_space<vmem>>, vector<1x16xf32>,
    %swap3A_768 = vector.shape_cast %swap3A_767 : vector<1x16xf32> to vector<16xf32>
    %swap3A_769 = vector.shape_cast %broadcast_in_dim3A_137 : vector<16xf32> to vector<1x16xf32>
    tpu.vector_store %arg6[%swap3A_765, %swap3A_766], %swap3A_769 {strides = array<i32>} : memref<2x512xf32, #tpu.memory_space<vmem>>, vector<1x16xf32>,
    %swap3A_770 = arith.constant 1 : i32
    %swap3A_771 = arith.index_cast %swap3A_770 : i32 to index
    %swap3A_772 = arith.constant 320 : index
    %swap3A_773 = tpu.vector_load %arg7[%swap3A_771, %swap3A_772] {strides = array<i32>} : memref<2x512xf32, #tpu.memory_space<vmem>>, vector<1x16xf32>,
    %swap3A_774 = vector.shape_cast %swap3A_773 : vector<1x16xf32> to vector<16xf32>
    %swap3A_775 = vector.shape_cast %broadcast_in_dim3A_139 : vector<16xf32> to vector<1x16xf32>
    tpu.vector_store %arg7[%swap3A_771, %swap3A_772], %swap3A_775 {strides = array<i32>} : memref<2x512xf32, #tpu.memory_space<vmem>>, vector<1x16xf32>,
    %swap3A_776 = arith.constant 1 : i32
    %swap3A_777 = arith.index_cast %swap3A_776 : i32 to index
    %swap3A_778 = arith.constant 336 : index
    %swap3A_779 = tpu.vector_load %arg6[%swap3A_777, %swap3A_778] {strides = array<i32>} : memref<2x512xf32, #tpu.memory_space<vmem>>, vector<1x16xf32>,
    %swap3A_780 = vector.shape_cast %swap3A_779 : vector<1x16xf32> to vector<16xf32>
    %swap3A_781 = vector.shape_cast %broadcast_in_dim3A_137 : vector<16xf32> to vector<1x16xf32>
    tpu.vector_store %arg6[%swap3A_777, %swap3A_778], %swap3A_781 {strides = array<i32>} : memref<2x512xf32, #tpu.memory_space<vmem>>, vector<1x16xf32>,
    %swap3A_782 = arith.constant 1 : i32
    %swap3A_783 = arith.index_cast %swap3A_782 : i32 to index
    %swap3A_784 = arith.constant 336 : index
    %swap3A_785 = tpu.vector_load %arg7[%swap3A_783, %swap3A_784] {strides = array<i32>} : memref<2x512xf32, #tpu.memory_space<vmem>>, vector<1x16xf32>,
    %swap3A_786 = vector.shape_cast %swap3A_785 : vector<1x16xf32> to vector<16xf32>
    %swap3A_787 = vector.shape_cast %broadcast_in_dim3A_139 : vector<16xf32> to vector<1x16xf32>
    tpu.vector_store %arg7[%swap3A_783, %swap3A_784], %swap3A_787 {strides = array<i32>} : memref<2x512xf32, #tpu.memory_space<vmem>>, vector<1x16xf32>,
    %swap3A_788 = arith.constant 1 : i32
    %swap3A_789 = arith.index_cast %swap3A_788 : i32 to index
    %swap3A_790 = arith.constant 352 : index
    %swap3A_791 = tpu.vector_load %arg6[%swap3A_789, %swap3A_790] {strides = array<i32>} : memref<2x512xf32, #tpu.memory_space<vmem>>, vector<1x16xf32>,
    %swap3A_792 = vector.shape_cast %swap3A_791 : vector<1x16xf32> to vector<16xf32>
    %swap3A_793 = vector.shape_cast %broadcast_in_dim3A_137 : vector<16xf32> to vector<1x16xf32>
    tpu.vector_store %arg6[%swap3A_789, %swap3A_790], %swap3A_793 {strides = array<i32>} : memref<2x512xf32, #tpu.memory_space<vmem>>, vector<1x16xf32>,
    %swap3A_794 = arith.constant 1 : i32
    %swap3A_795 = arith.index_cast %swap3A_794 : i32 to index
    %swap3A_796 = arith.constant 352 : index
    %swap3A_797 = tpu.vector_load %arg7[%swap3A_795, %swap3A_796] {strides = array<i32>} : memref<2x512xf32, #tpu.memory_space<vmem>>, vector<1x16xf32>,
    %swap3A_798 = vector.shape_cast %swap3A_797 : vector<1x16xf32> to vector<16xf32>
    %swap3A_799 = vector.shape_cast %broadcast_in_dim3A_139 : vector<16xf32> to vector<1x16xf32>
    tpu.vector_store %arg7[%swap3A_795, %swap3A_796], %swap3A_799 {strides = array<i32>} : memref<2x512xf32, #tpu.memory_space<vmem>>, vector<1x16xf32>,
    %swap3A_800 = arith.constant 1 : i32
    %swap3A_801 = arith.index_cast %swap3A_800 : i32 to index
    %swap3A_802 = arith.constant 368 : index
    %swap3A_803 = tpu.vector_load %arg6[%swap3A_801, %swap3A_802] {strides = array<i32>} : memref<2x512xf32, #tpu.memory_space<vmem>>, vector<1x16xf32>,
    %swap3A_804 = vector.shape_cast %swap3A_803 : vector<1x16xf32> to vector<16xf32>
    %swap3A_805 = vector.shape_cast %broadcast_in_dim3A_137 : vector<16xf32> to vector<1x16xf32>
    tpu.vector_store %arg6[%swap3A_801, %swap3A_802], %swap3A_805 {strides = array<i32>} : memref<2x512xf32, #tpu.memory_space<vmem>>, vector<1x16xf32>,
    %swap3A_806 = arith.constant 1 : i32
    %swap3A_807 = arith.index_cast %swap3A_806 : i32 to index
    %swap3A_808 = arith.constant 368 : index
    %swap3A_809 = tpu.vector_load %arg7[%swap3A_807, %swap3A_808] {strides = array<i32>} : memref<2x512xf32, #tpu.memory_space<vmem>>, vector<1x16xf32>,
    %swap3A_810 = vector.shape_cast %swap3A_809 : vector<1x16xf32> to vector<16xf32>
    %swap3A_811 = vector.shape_cast %broadcast_in_dim3A_139 : vector<16xf32> to vector<1x16xf32>
    tpu.vector_store %arg7[%swap3A_807, %swap3A_808], %swap3A_811 {strides = array<i32>} : memref<2x512xf32, #tpu.memory_space<vmem>>, vector<1x16xf32>,
    %swap3A_812 = arith.constant 1 : i32
    %swap3A_813 = arith.index_cast %swap3A_812 : i32 to index
    %swap3A_814 = arith.constant 384 : index
    %swap3A_815 = tpu.vector_load %arg6[%swap3A_813, %swap3A_814] {strides = array<i32>} : memref<2x512xf32, #tpu.memory_space<vmem>>, vector<1x16xf32>,
    %swap3A_816 = vector.shape_cast %swap3A_815 : vector<1x16xf32> to vector<16xf32>
    %swap3A_817 = vector.shape_cast %broadcast_in_dim3A_137 : vector<16xf32> to vector<1x16xf32>
    tpu.vector_store %arg6[%swap3A_813, %swap3A_814], %swap3A_817 {strides = array<i32>} : memref<2x512xf32, #tpu.memory_space<vmem>>, vector<1x16xf32>,
    %swap3A_818 = arith.constant 1 : i32
    %swap3A_819 = arith.index_cast %swap3A_818 : i32 to index
    %swap3A_820 = arith.constant 384 : index
    %swap3A_821 = tpu.vector_load %arg7[%swap3A_819, %swap3A_820] {strides = array<i32>} : memref<2x512xf32, #tpu.memory_space<vmem>>, vector<1x16xf32>,
    %swap3A_822 = vector.shape_cast %swap3A_821 : vector<1x16xf32> to vector<16xf32>
    %swap3A_823 = vector.shape_cast %broadcast_in_dim3A_139 : vector<16xf32> to vector<1x16xf32>
    tpu.vector_store %arg7[%swap3A_819, %swap3A_820], %swap3A_823 {strides = array<i32>} : memref<2x512xf32, #tpu.memory_space<vmem>>, vector<1x16xf32>,
    %swap3A_824 = arith.constant 1 : i32
    %swap3A_825 = arith.index_cast %swap3A_824 : i32 to index
    %swap3A_826 = arith.constant 400 : index
    %swap3A_827 = tpu.vector_load %arg6[%swap3A_825, %swap3A_826] {strides = array<i32>} : memref<2x512xf32, #tpu.memory_space<vmem>>, vector<1x16xf32>,
    %swap3A_828 = vector.shape_cast %swap3A_827 : vector<1x16xf32> to vector<16xf32>
    %swap3A_829 = vector.shape_cast %broadcast_in_dim3A_137 : vector<16xf32> to vector<1x16xf32>
    tpu.vector_store %arg6[%swap3A_825, %swap3A_826], %swap3A_829 {strides = array<i32>} : memref<2x512xf32, #tpu.memory_space<vmem>>, vector<1x16xf32>,
    %swap3A_830 = arith.constant 1 : i32
    %swap3A_831 = arith.index_cast %swap3A_830 : i32 to index
    %swap3A_832 = arith.constant 400 : index
    %swap3A_833 = tpu.vector_load %arg7[%swap3A_831, %swap3A_832] {strides = array<i32>} : memref<2x512xf32, #tpu.memory_space<vmem>>, vector<1x16xf32>,
    %swap3A_834 = vector.shape_cast %swap3A_833 : vector<1x16xf32> to vector<16xf32>
    %swap3A_835 = vector.shape_cast %broadcast_in_dim3A_139 : vector<16xf32> to vector<1x16xf32>
    tpu.vector_store %arg7[%swap3A_831, %swap3A_832], %swap3A_835 {strides = array<i32>} : memref<2x512xf32, #tpu.memory_space<vmem>>, vector<1x16xf32>,
    %swap3A_836 = arith.constant 1 : i32
    %swap3A_837 = arith.index_cast %swap3A_836 : i32 to index
    %swap3A_838 = arith.constant 416 : index
    %swap3A_839 = tpu.vector_load %arg6[%swap3A_837, %swap3A_838] {strides = array<i32>} : memref<2x512xf32, #tpu.memory_space<vmem>>, vector<1x16xf32>,
    %swap3A_840 = vector.shape_cast %swap3A_839 : vector<1x16xf32> to vector<16xf32>
    %swap3A_841 = vector.shape_cast %broadcast_in_dim3A_137 : vector<16xf32> to vector<1x16xf32>
    tpu.vector_store %arg6[%swap3A_837, %swap3A_838], %swap3A_841 {strides = array<i32>} : memref<2x512xf32, #tpu.memory_space<vmem>>, vector<1x16xf32>,
    %swap3A_842 = arith.constant 1 : i32
    %swap3A_843 = arith.index_cast %swap3A_842 : i32 to index
    %swap3A_844 = arith.constant 416 : index
    %swap3A_845 = tpu.vector_load %arg7[%swap3A_843, %swap3A_844] {strides = array<i32>} : memref<2x512xf32, #tpu.memory_space<vmem>>, vector<1x16xf32>,
    %swap3A_846 = vector.shape_cast %swap3A_845 : vector<1x16xf32> to vector<16xf32>
    %swap3A_847 = vector.shape_cast %broadcast_in_dim3A_139 : vector<16xf32> to vector<1x16xf32>
    tpu.vector_store %arg7[%swap3A_843, %swap3A_844], %swap3A_847 {strides = array<i32>} : memref<2x512xf32, #tpu.memory_space<vmem>>, vector<1x16xf32>,
    %swap3A_848 = arith.constant 1 : i32
    %swap3A_849 = arith.index_cast %swap3A_848 : i32 to index
    %swap3A_850 = arith.constant 432 : index
    %swap3A_851 = tpu.vector_load %arg6[%swap3A_849, %swap3A_850] {strides = array<i32>} : memref<2x512xf32, #tpu.memory_space<vmem>>, vector<1x16xf32>,
    %swap3A_852 = vector.shape_cast %swap3A_851 : vector<1x16xf32> to vector<16xf32>
    %swap3A_853 = vector.shape_cast %broadcast_in_dim3A_137 : vector<16xf32> to vector<1x16xf32>
    tpu.vector_store %arg6[%swap3A_849, %swap3A_850], %swap3A_853 {strides = array<i32>} : memref<2x512xf32, #tpu.memory_space<vmem>>, vector<1x16xf32>,
    %swap3A_854 = arith.constant 1 : i32
    %swap3A_855 = arith.index_cast %swap3A_854 : i32 to index
    %swap3A_856 = arith.constant 432 : index
    %swap3A_857 = tpu.vector_load %arg7[%swap3A_855, %swap3A_856] {strides = array<i32>} : memref<2x512xf32, #tpu.memory_space<vmem>>, vector<1x16xf32>,
    %swap3A_858 = vector.shape_cast %swap3A_857 : vector<1x16xf32> to vector<16xf32>
    %swap3A_859 = vector.shape_cast %broadcast_in_dim3A_139 : vector<16xf32> to vector<1x16xf32>
    tpu.vector_store %arg7[%swap3A_855, %swap3A_856], %swap3A_859 {strides = array<i32>} : memref<2x512xf32, #tpu.memory_space<vmem>>, vector<1x16xf32>,
    %swap3A_860 = arith.constant 1 : i32
    %swap3A_861 = arith.index_cast %swap3A_860 : i32 to index
    %swap3A_862 = arith.constant 448 : index
    %swap3A_863 = tpu.vector_load %arg6[%swap3A_861, %swap3A_862] {strides = array<i32>} : memref<2x512xf32, #tpu.memory_space<vmem>>, vector<1x16xf32>,
    %swap3A_864 = vector.shape_cast %swap3A_863 : vector<1x16xf32> to vector<16xf32>
    %swap3A_865 = vector.shape_cast %broadcast_in_dim3A_137 : vector<16xf32> to vector<1x16xf32>
    tpu.vector_store %arg6[%swap3A_861, %swap3A_862], %swap3A_865 {strides = array<i32>} : memref<2x512xf32, #tpu.memory_space<vmem>>, vector<1x16xf32>,
    %swap3A_866 = arith.constant 1 : i32
    %swap3A_867 = arith.index_cast %swap3A_866 : i32 to index
    %swap3A_868 = arith.constant 448 : index
    %swap3A_869 = tpu.vector_load %arg7[%swap3A_867, %swap3A_868] {strides = array<i32>} : memref<2x512xf32, #tpu.memory_space<vmem>>, vector<1x16xf32>,
    %swap3A_870 = vector.shape_cast %swap3A_869 : vector<1x16xf32> to vector<16xf32>
    %swap3A_871 = vector.shape_cast %broadcast_in_dim3A_139 : vector<16xf32> to vector<1x16xf32>
    tpu.vector_store %arg7[%swap3A_867, %swap3A_868], %swap3A_871 {strides = array<i32>} : memref<2x512xf32, #tpu.memory_space<vmem>>, vector<1x16xf32>,
    %swap3A_872 = arith.constant 1 : i32
    %swap3A_873 = arith.index_cast %swap3A_872 : i32 to index
    %swap3A_874 = arith.constant 464 : index
    %swap3A_875 = tpu.vector_load %arg6[%swap3A_873, %swap3A_874] {strides = array<i32>} : memref<2x512xf32, #tpu.memory_space<vmem>>, vector<1x16xf32>,
    %swap3A_876 = vector.shape_cast %swap3A_875 : vector<1x16xf32> to vector<16xf32>
    %swap3A_877 = vector.shape_cast %broadcast_in_dim3A_137 : vector<16xf32> to vector<1x16xf32>
    tpu.vector_store %arg6[%swap3A_873, %swap3A_874], %swap3A_877 {strides = array<i32>} : memref<2x512xf32, #tpu.memory_space<vmem>>, vector<1x16xf32>,
    %swap3A_878 = arith.constant 1 : i32
    %swap3A_879 = arith.index_cast %swap3A_878 : i32 to index
    %swap3A_880 = arith.constant 464 : index
    %swap3A_881 = tpu.vector_load %arg7[%swap3A_879, %swap3A_880] {strides = array<i32>} : memref<2x512xf32, #tpu.memory_space<vmem>>, vector<1x16xf32>,
    %swap3A_882 = vector.shape_cast %swap3A_881 : vector<1x16xf32> to vector<16xf32>
    %swap3A_883 = vector.shape_cast %broadcast_in_dim3A_139 : vector<16xf32> to vector<1x16xf32>
    tpu.vector_store %arg7[%swap3A_879, %swap3A_880], %swap3A_883 {strides = array<i32>} : memref<2x512xf32, #tpu.memory_space<vmem>>, vector<1x16xf32>,
    %swap3A_884 = arith.constant 1 : i32
    %swap3A_885 = arith.index_cast %swap3A_884 : i32 to index
    %swap3A_886 = arith.constant 480 : index
    %swap3A_887 = tpu.vector_load %arg6[%swap3A_885, %swap3A_886] {strides = array<i32>} : memref<2x512xf32, #tpu.memory_space<vmem>>, vector<1x16xf32>,
    %swap3A_888 = vector.shape_cast %swap3A_887 : vector<1x16xf32> to vector<16xf32>
    %swap3A_889 = vector.shape_cast %broadcast_in_dim3A_137 : vector<16xf32> to vector<1x16xf32>
    tpu.vector_store %arg6[%swap3A_885, %swap3A_886], %swap3A_889 {strides = array<i32>} : memref<2x512xf32, #tpu.memory_space<vmem>>, vector<1x16xf32>,
    %swap3A_890 = arith.constant 1 : i32
    %swap3A_891 = arith.index_cast %swap3A_890 : i32 to index
    %swap3A_892 = arith.constant 480 : index
    %swap3A_893 = tpu.vector_load %arg7[%swap3A_891, %swap3A_892] {strides = array<i32>} : memref<2x512xf32, #tpu.memory_space<vmem>>, vector<1x16xf32>,
    %swap3A_894 = vector.shape_cast %swap3A_893 : vector<1x16xf32> to vector<16xf32>
    %swap3A_895 = vector.shape_cast %broadcast_in_dim3A_139 : vector<16xf32> to vector<1x16xf32>
    tpu.vector_store %arg7[%swap3A_891, %swap3A_892], %swap3A_895 {strides = array<i32>} : memref<2x512xf32, #tpu.memory_space<vmem>>, vector<1x16xf32>,
    %swap3A_896 = arith.constant 1 : i32
    %swap3A_897 = arith.index_cast %swap3A_896 : i32 to index
    %swap3A_898 = arith.constant 496 : index
    %swap3A_899 = tpu.vector_load %arg6[%swap3A_897, %swap3A_898] {strides = array<i32>} : memref<2x512xf32, #tpu.memory_space<vmem>>, vector<1x16xf32>,
    %swap3A_900 = vector.shape_cast %swap3A_899 : vector<1x16xf32> to vector<16xf32>
    %swap3A_901 = vector.shape_cast %broadcast_in_dim3A_137 : vector<16xf32> to vector<1x16xf32>
    tpu.vector_store %arg6[%swap3A_897, %swap3A_898], %swap3A_901 {strides = array<i32>} : memref<2x512xf32, #tpu.memory_space<vmem>>, vector<1x16xf32>,
    %swap3A_902 = arith.constant 1 : i32
    %swap3A_903 = arith.index_cast %swap3A_902 : i32 to index
    %swap3A_904 = arith.constant 496 : index
    %swap3A_905 = tpu.vector_load %arg7[%swap3A_903, %swap3A_904] {strides = array<i32>} : memref<2x512xf32, #tpu.memory_space<vmem>>, vector<1x16xf32>,
    %swap3A_906 = vector.shape_cast %swap3A_905 : vector<1x16xf32> to vector<16xf32>
    %swap3A_907 = vector.shape_cast %broadcast_in_dim3A_139 : vector<16xf32> to vector<1x16xf32>
    tpu.vector_store %arg7[%swap3A_903, %swap3A_904], %swap3A_907 {strides = array<i32>} : memref<2x512xf32, #tpu.memory_space<vmem>>, vector<1x16xf32>,
    %add3A_908 = arith.constant 0 : i32
    %add3A_909 = arith.addi %mul3A_0, %add3A_908 : i32
    %dma_start3A_910 = arith.constant 0 : i32
    %dma_start3A_911 = tpu.memref_slice %arg3[%add3A_909, %dma_start3A_910] : memref<512x512xf32, #tpu.memory_space<hbm>> -> memref<2x512xf32, #tpu.memory_space<hbm>>
    %dma_start3A_912 = arith.constant 0 : i32
    %dma_start3A_913 = tpu.memref_slice %arg3[%add3A_909, %dma_start3A_912] : memref<512x512xf32, #tpu.memory_space<hbm>> -> memref<2x512xf32, #tpu.memory_space<hbm>>
    tpu.enqueue_dma source(%arg6 : memref<2x512xf32, #tpu.memory_space<vmem>>) target(%dma_start3A_913 : memref<2x512xf32, #tpu.memory_space<hbm>>) target_semaphore(%arg12 : memref<!tpu.dma_semaphore, #tpu.memory_space<semaphore_mem>>)
    %add3A_914 = arith.constant 2 : i32
    %add3A_915 = arith.addi %mul3A_0, %add3A_914 : i32
    %dma_start3A_916 = arith.constant 0 : i32
    %dma_start3A_917 = tpu.memref_slice %arg3[%add3A_915, %dma_start3A_916] : memref<512x512xf32, #tpu.memory_space<hbm>> -> memref<2x512xf32, #tpu.memory_space<hbm>>
    %dma_start3A_918 = arith.constant 0 : i32
    %dma_start3A_919 = tpu.memref_slice %arg3[%add3A_915, %dma_start3A_918] : memref<512x512xf32, #tpu.memory_space<hbm>> -> memref<2x512xf32, #tpu.memory_space<hbm>>
    tpu.enqueue_dma source(%arg6 : memref<2x512xf32, #tpu.memory_space<vmem>>) target(%dma_start3A_919 : memref<2x512xf32, #tpu.memory_space<hbm>>) target_semaphore(%arg12 : memref<!tpu.dma_semaphore, #tpu.memory_space<semaphore_mem>>)
    %add3A_920 = arith.constant 4 : i32
    %add3A_921 = arith.addi %mul3A_0, %add3A_920 : i32
    %dma_start3A_922 = arith.constant 0 : i32
    %dma_start3A_923 = tpu.memref_slice %arg3[%add3A_921, %dma_start3A_922] : memref<512x512xf32, #tpu.memory_space<hbm>> -> memref<2x512xf32, #tpu.memory_space<hbm>>
    %dma_start3A_924 = arith.constant 0 : i32
    %dma_start3A_925 = tpu.memref_slice %arg3[%add3A_921, %dma_start3A_924] : memref<512x512xf32, #tpu.memory_space<hbm>> -> memref<2x512xf32, #tpu.memory_space<hbm>>
    tpu.enqueue_dma source(%arg6 : memref<2x512xf32, #tpu.memory_space<vmem>>) target(%dma_start3A_925 : memref<2x512xf32, #tpu.memory_space<hbm>>) target_semaphore(%arg12 : memref<!tpu.dma_semaphore, #tpu.memory_space<semaphore_mem>>)
    %add3A_926 = arith.constant 6 : i32
    %add3A_927 = arith.addi %mul3A_0, %add3A_926 : i32
    %dma_start3A_928 = arith.constant 0 : i32
    %dma_start3A_929 = tpu.memref_slice %arg3[%add3A_927, %dma_start3A_928] : memref<512x512xf32, #tpu.memory_space<hbm>> -> memref<2x512xf32, #tpu.memory_space<hbm>>
    %dma_start3A_930 = arith.constant 0 : i32
    %dma_start3A_931 = tpu.memref_slice %arg3[%add3A_927, %dma_start3A_930] : memref<512x512xf32, #tpu.memory_space<hbm>> -> memref<2x512xf32, #tpu.memory_space<hbm>>
    tpu.enqueue_dma source(%arg6 : memref<2x512xf32, #tpu.memory_space<vmem>>) target(%dma_start3A_931 : memref<2x512xf32, #tpu.memory_space<hbm>>) target_semaphore(%arg12 : memref<!tpu.dma_semaphore, #tpu.memory_space<semaphore_mem>>)
    %add3A_932 = arith.constant 8 : i32
    %add3A_933 = arith.addi %mul3A_0, %add3A_932 : i32
    %dma_start3A_934 = arith.constant 0 : i32
    %dma_start3A_935 = tpu.memref_slice %arg3[%add3A_933, %dma_start3A_934] : memref<512x512xf32, #tpu.memory_space<hbm>> -> memref<2x512xf32, #tpu.memory_space<hbm>>
    %dma_start3A_936 = arith.constant 0 : i32
    %dma_start3A_937 = tpu.memref_slice %arg3[%add3A_933, %dma_start3A_936] : memref<512x512xf32, #tpu.memory_space<hbm>> -> memref<2x512xf32, #tpu.memory_space<hbm>>
    tpu.enqueue_dma source(%arg6 : memref<2x512xf32, #tpu.memory_space<vmem>>) target(%dma_start3A_937 : memref<2x512xf32, #tpu.memory_space<hbm>>) target_semaphore(%arg12 : memref<!tpu.dma_semaphore, #tpu.memory_space<semaphore_mem>>)
    %add3A_938 = arith.constant 10 : i32
    %add3A_939 = arith.addi %mul3A_0, %add3A_938 : i32
    %dma_start3A_940 = arith.constant 0 : i32
    %dma_start3A_941 = tpu.memref_slice %arg3[%add3A_939, %dma_start3A_940] : memref<512x512xf32, #tpu.memory_space<hbm>> -> memref<2x512xf32, #tpu.memory_space<hbm>>
    %dma_start3A_942 = arith.constant 0 : i32
    %dma_start3A_943 = tpu.memref_slice %arg3[%add3A_939, %dma_start3A_942] : memref<512x512xf32, #tpu.memory_space<hbm>> -> memref<2x512xf32, #tpu.memory_space<hbm>>
    tpu.enqueue_dma source(%arg6 : memref<2x512xf32, #tpu.memory_space<vmem>>) target(%dma_start3A_943 : memref<2x512xf32, #tpu.memory_space<hbm>>) target_semaphore(%arg12 : memref<!tpu.dma_semaphore, #tpu.memory_space<semaphore_mem>>)
    %add3A_944 = arith.constant 12 : i32
    %add3A_945 = arith.addi %mul3A_0, %add3A_944 : i32
    %dma_start3A_946 = arith.constant 0 : i32
    %dma_start3A_947 = tpu.memref_slice %arg3[%add3A_945, %dma_start3A_946] : memref<512x512xf32, #tpu.memory_space<hbm>> -> memref<2x512xf32, #tpu.memory_space<hbm>>
    %dma_start3A_948 = arith.constant 0 : i32
    %dma_start3A_949 = tpu.memref_slice %arg3[%add3A_945, %dma_start3A_948] : memref<512x512xf32, #tpu.memory_space<hbm>> -> memref<2x512xf32, #tpu.memory_space<hbm>>
    tpu.enqueue_dma source(%arg6 : memref<2x512xf32, #tpu.memory_space<vmem>>) target(%dma_start3A_949 : memref<2x512xf32, #tpu.memory_space<hbm>>) target_semaphore(%arg12 : memref<!tpu.dma_semaphore, #tpu.memory_space<semaphore_mem>>)
    %add3A_950 = arith.constant 14 : i32
    %add3A_951 = arith.addi %mul3A_0, %add3A_950 : i32
    %dma_start3A_952 = arith.constant 0 : i32
    %dma_start3A_953 = tpu.memref_slice %arg3[%add3A_951, %dma_start3A_952] : memref<512x512xf32, #tpu.memory_space<hbm>> -> memref<2x512xf32, #tpu.memory_space<hbm>>
    %dma_start3A_954 = arith.constant 0 : i32
    %dma_start3A_955 = tpu.memref_slice %arg3[%add3A_951, %dma_start3A_954] : memref<512x512xf32, #tpu.memory_space<hbm>> -> memref<2x512xf32, #tpu.memory_space<hbm>>
    tpu.enqueue_dma source(%arg6 : memref<2x512xf32, #tpu.memory_space<vmem>>) target(%dma_start3A_955 : memref<2x512xf32, #tpu.memory_space<hbm>>) target_semaphore(%arg12 : memref<!tpu.dma_semaphore, #tpu.memory_space<semaphore_mem>>)
    %add3A_956 = arith.constant 16 : i32
    %add3A_957 = arith.addi %mul3A_0, %add3A_956 : i32
    %dma_start3A_958 = arith.constant 0 : i32
    %dma_start3A_959 = tpu.memref_slice %arg3[%add3A_957, %dma_start3A_958] : memref<512x512xf32, #tpu.memory_space<hbm>> -> memref<2x512xf32, #tpu.memory_space<hbm>>
    %dma_start3A_960 = arith.constant 0 : i32
    %dma_start3A_961 = tpu.memref_slice %arg3[%add3A_957, %dma_start3A_960] : memref<512x512xf32, #tpu.memory_space<hbm>> -> memref<2x512xf32, #tpu.memory_space<hbm>>
    tpu.enqueue_dma source(%arg6 : memref<2x512xf32, #tpu.memory_space<vmem>>) target(%dma_start3A_961 : memref<2x512xf32, #tpu.memory_space<hbm>>) target_semaphore(%arg12 : memref<!tpu.dma_semaphore, #tpu.memory_space<semaphore_mem>>)
    %add3A_962 = arith.constant 18 : i32
    %add3A_963 = arith.addi %mul3A_0, %add3A_962 : i32
    %dma_start3A_964 = arith.constant 0 : i32
    %dma_start3A_965 = tpu.memref_slice %arg3[%add3A_963, %dma_start3A_964] : memref<512x512xf32, #tpu.memory_space<hbm>> -> memref<2x512xf32, #tpu.memory_space<hbm>>
    %dma_start3A_966 = arith.constant 0 : i32
    %dma_start3A_967 = tpu.memref_slice %arg3[%add3A_963, %dma_start3A_966] : memref<512x512xf32, #tpu.memory_space<hbm>> -> memref<2x512xf32, #tpu.memory_space<hbm>>
    tpu.enqueue_dma source(%arg6 : memref<2x512xf32, #tpu.memory_space<vmem>>) target(%dma_start3A_967 : memref<2x512xf32, #tpu.memory_space<hbm>>) target_semaphore(%arg12 : memref<!tpu.dma_semaphore, #tpu.memory_space<semaphore_mem>>)
    %add3A_968 = arith.constant 20 : i32
    %add3A_969 = arith.addi %mul3A_0, %add3A_968 : i32
    %dma_start3A_970 = arith.constant 0 : i32
    %dma_start3A_971 = tpu.memref_slice %arg3[%add3A_969, %dma_start3A_970] : memref<512x512xf32, #tpu.memory_space<hbm>> -> memref<2x512xf32, #tpu.memory_space<hbm>>
    %dma_start3A_972 = arith.constant 0 : i32
    %dma_start3A_973 = tpu.memref_slice %arg3[%add3A_969, %dma_start3A_972] : memref<512x512xf32, #tpu.memory_space<hbm>> -> memref<2x512xf32, #tpu.memory_space<hbm>>
    tpu.enqueue_dma source(%arg6 : memref<2x512xf32, #tpu.memory_space<vmem>>) target(%dma_start3A_973 : memref<2x512xf32, #tpu.memory_space<hbm>>) target_semaphore(%arg12 : memref<!tpu.dma_semaphore, #tpu.memory_space<semaphore_mem>>)
    %add3A_974 = arith.constant 22 : i32
    %add3A_975 = arith.addi %mul3A_0, %add3A_974 : i32
    %dma_start3A_976 = arith.constant 0 : i32
    %dma_start3A_977 = tpu.memref_slice %arg3[%add3A_975, %dma_start3A_976] : memref<512x512xf32, #tpu.memory_space<hbm>> -> memref<2x512xf32, #tpu.memory_space<hbm>>
    %dma_start3A_978 = arith.constant 0 : i32
    %dma_start3A_979 = tpu.memref_slice %arg3[%add3A_975, %dma_start3A_978] : memref<512x512xf32, #tpu.memory_space<hbm>> -> memref<2x512xf32, #tpu.memory_space<hbm>>
    tpu.enqueue_dma source(%arg6 : memref<2x512xf32, #tpu.memory_space<vmem>>) target(%dma_start3A_979 : memref<2x512xf32, #tpu.memory_space<hbm>>) target_semaphore(%arg12 : memref<!tpu.dma_semaphore, #tpu.memory_space<semaphore_mem>>)
    %add3A_980 = arith.constant 24 : i32
    %add3A_981 = arith.addi %mul3A_0, %add3A_980 : i32
    %dma_start3A_982 = arith.constant 0 : i32
    %dma_start3A_983 = tpu.memref_slice %arg3[%add3A_981, %dma_start3A_982] : memref<512x512xf32, #tpu.memory_space<hbm>> -> memref<2x512xf32, #tpu.memory_space<hbm>>
    %dma_start3A_984 = arith.constant 0 : i32
    %dma_start3A_985 = tpu.memref_slice %arg3[%add3A_981, %dma_start3A_984] : memref<512x512xf32, #tpu.memory_space<hbm>> -> memref<2x512xf32, #tpu.memory_space<hbm>>
    tpu.enqueue_dma source(%arg6 : memref<2x512xf32, #tpu.memory_space<vmem>>) target(%dma_start3A_985 : memref<2x512xf32, #tpu.memory_space<hbm>>) target_semaphore(%arg12 : memref<!tpu.dma_semaphore, #tpu.memory_space<semaphore_mem>>)
    %add3A_986 = arith.constant 26 : i32
    %add3A_987 = arith.addi %mul3A_0, %add3A_986 : i32
    %dma_start3A_988 = arith.constant 0 : i32
    %dma_start3A_989 = tpu.memref_slice %arg3[%add3A_987, %dma_start3A_988] : memref<512x512xf32, #tpu.memory_space<hbm>> -> memref<2x512xf32, #tpu.memory_space<hbm>>
    %dma_start3A_990 = arith.constant 0 : i32
    %dma_start3A_991 = tpu.memref_slice %arg3[%add3A_987, %dma_start3A_990] : memref<512x512xf32, #tpu.memory_space<hbm>> -> memref<2x512xf32, #tpu.memory_space<hbm>>
    tpu.enqueue_dma source(%arg6 : memref<2x512xf32, #tpu.memory_space<vmem>>) target(%dma_start3A_991 : memref<2x512xf32, #tpu.memory_space<hbm>>) target_semaphore(%arg12 : memref<!tpu.dma_semaphore, #tpu.memory_space<semaphore_mem>>)
    %add3A_992 = arith.constant 28 : i32
    %add3A_993 = arith.addi %mul3A_0, %add3A_992 : i32
    %dma_start3A_994 = arith.constant 0 : i32
    %dma_start3A_995 = tpu.memref_slice %arg3[%add3A_993, %dma_start3A_994] : memref<512x512xf32, #tpu.memory_space<hbm>> -> memref<2x512xf32, #tpu.memory_space<hbm>>
    %dma_start3A_996 = arith.constant 0 : i32
    %dma_start3A_997 = tpu.memref_slice %arg3[%add3A_993, %dma_start3A_996] : memref<512x512xf32, #tpu.memory_space<hbm>> -> memref<2x512xf32, #tpu.memory_space<hbm>>
    tpu.enqueue_dma source(%arg6 : memref<2x512xf32, #tpu.memory_space<vmem>>) target(%dma_start3A_997 : memref<2x512xf32, #tpu.memory_space<hbm>>) target_semaphore(%arg12 : memref<!tpu.dma_semaphore, #tpu.memory_space<semaphore_mem>>)
    %add3A_998 = arith.constant 30 : i32
    %add3A_999 = arith.addi %mul3A_0, %add3A_998 : i32
    %dma_start3A_1000 = arith.constant 0 : i32
    %dma_start3A_1001 = tpu.memref_slice %arg3[%add3A_999, %dma_start3A_1000] : memref<512x512xf32, #tpu.memory_space<hbm>> -> memref<2x512xf32, #tpu.memory_space<hbm>>
    %dma_start3A_1002 = arith.constant 0 : i32
    %dma_start3A_1003 = tpu.memref_slice %arg3[%add3A_999, %dma_start3A_1002] : memref<512x512xf32, #tpu.memory_space<hbm>> -> memref<2x512xf32, #tpu.memory_space<hbm>>
    tpu.enqueue_dma source(%arg6 : memref<2x512xf32, #tpu.memory_space<vmem>>) target(%dma_start3A_1003 : memref<2x512xf32, #tpu.memory_space<hbm>>) target_semaphore(%arg12 : memref<!tpu.dma_semaphore, #tpu.memory_space<semaphore_mem>>)
    %dma_wait3A_1004 = arith.constant 0 : i32
    %dma_wait3A_1005 = tpu.memref_slice %arg3[%add3A_909, %dma_wait3A_1004] : memref<512x512xf32, #tpu.memory_space<hbm>> -> memref<2x512xf32, #tpu.memory_space<hbm>>
    %dma_wait3A_1006 = arith.constant 0 : i32
    %dma_wait3A_1007 = tpu.memref_slice %arg3[%add3A_909, %dma_wait3A_1006] : memref<512x512xf32, #tpu.memory_space<hbm>> -> memref<2x512xf32, #tpu.memory_space<hbm>>
    tpu.wait_dma2 semaphore(%arg12 : memref<!tpu.dma_semaphore, #tpu.memory_space<semaphore_mem>>) src(%arg6 : memref<2x512xf32, #tpu.memory_space<vmem>>) dst(%dma_wait3A_1007 : memref<2x512xf32, #tpu.memory_space<hbm>>)
    %dma_wait3A_1008 = arith.constant 0 : i32
    %dma_wait3A_1009 = tpu.memref_slice %arg3[%add3A_915, %dma_wait3A_1008] : memref<512x512xf32, #tpu.memory_space<hbm>> -> memref<2x512xf32, #tpu.memory_space<hbm>>
    %dma_wait3A_1010 = arith.constant 0 : i32
    %dma_wait3A_1011 = tpu.memref_slice %arg3[%add3A_915, %dma_wait3A_1010] : memref<512x512xf32, #tpu.memory_space<hbm>> -> memref<2x512xf32, #tpu.memory_space<hbm>>
    tpu.wait_dma2 semaphore(%arg12 : memref<!tpu.dma_semaphore, #tpu.memory_space<semaphore_mem>>) src(%arg6 : memref<2x512xf32, #tpu.memory_space<vmem>>) dst(%dma_wait3A_1011 : memref<2x512xf32, #tpu.memory_space<hbm>>)
    %dma_wait3A_1012 = arith.constant 0 : i32
    %dma_wait3A_1013 = tpu.memref_slice %arg3[%add3A_921, %dma_wait3A_1012] : memref<512x512xf32, #tpu.memory_space<hbm>> -> memref<2x512xf32, #tpu.memory_space<hbm>>
    %dma_wait3A_1014 = arith.constant 0 : i32
    %dma_wait3A_1015 = tpu.memref_slice %arg3[%add3A_921, %dma_wait3A_1014] : memref<512x512xf32, #tpu.memory_space<hbm>> -> memref<2x512xf32, #tpu.memory_space<hbm>>
    tpu.wait_dma2 semaphore(%arg12 : memref<!tpu.dma_semaphore, #tpu.memory_space<semaphore_mem>>) src(%arg6 : memref<2x512xf32, #tpu.memory_space<vmem>>) dst(%dma_wait3A_1015 : memref<2x512xf32, #tpu.memory_space<hbm>>)
    %dma_wait3A_1016 = arith.constant 0 : i32
    %dma_wait3A_1017 = tpu.memref_slice %arg3[%add3A_927, %dma_wait3A_1016] : memref<512x512xf32, #tpu.memory_space<hbm>> -> memref<2x512xf32, #tpu.memory_space<hbm>>
    %dma_wait3A_1018 = arith.constant 0 : i32
    %dma_wait3A_1019 = tpu.memref_slice %arg3[%add3A_927, %dma_wait3A_1018] : memref<512x512xf32, #tpu.memory_space<hbm>> -> memref<2x512xf32, #tpu.memory_space<hbm>>
    tpu.wait_dma2 semaphore(%arg12 : memref<!tpu.dma_semaphore, #tpu.memory_space<semaphore_mem>>) src(%arg6 : memref<2x512xf32, #tpu.memory_space<vmem>>) dst(%dma_wait3A_1019 : memref<2x512xf32, #tpu.memory_space<hbm>>)
    %dma_wait3A_1020 = arith.constant 0 : i32
    %dma_wait3A_1021 = tpu.memref_slice %arg3[%add3A_933, %dma_wait3A_1020] : memref<512x512xf32, #tpu.memory_space<hbm>> -> memref<2x512xf32, #tpu.memory_space<hbm>>
    %dma_wait3A_1022 = arith.constant 0 : i32
    %dma_wait3A_1023 = tpu.memref_slice %arg3[%add3A_933, %dma_wait3A_1022] : memref<512x512xf32, #tpu.memory_space<hbm>> -> memref<2x512xf32, #tpu.memory_space<hbm>>
    tpu.wait_dma2 semaphore(%arg12 : memref<!tpu.dma_semaphore, #tpu.memory_space<semaphore_mem>>) src(%arg6 : memref<2x512xf32, #tpu.memory_space<vmem>>) dst(%dma_wait3A_1023 : memref<2x512xf32, #tpu.memory_space<hbm>>)
    %dma_wait3A_1024 = arith.constant 0 : i32
    %dma_wait3A_1025 = tpu.memref_slice %arg3[%add3A_939, %dma_wait3A_1024] : memref<512x512xf32, #tpu.memory_space<hbm>> -> memref<2x512xf32, #tpu.memory_space<hbm>>
    %dma_wait3A_1026 = arith.constant 0 : i32
    %dma_wait3A_1027 = tpu.memref_slice %arg3[%add3A_939, %dma_wait3A_1026] : memref<512x512xf32, #tpu.memory_space<hbm>> -> memref<2x512xf32, #tpu.memory_space<hbm>>
    tpu.wait_dma2 semaphore(%arg12 : memref<!tpu.dma_semaphore, #tpu.memory_space<semaphore_mem>>) src(%arg6 : memref<2x512xf32, #tpu.memory_space<vmem>>) dst(%dma_wait3A_1027 : memref<2x512xf32, #tpu.memory_space<hbm>>)
    %dma_wait3A_1028 = arith.constant 0 : i32
    %dma_wait3A_1029 = tpu.memref_slice %arg3[%add3A_945, %dma_wait3A_1028] : memref<512x512xf32, #tpu.memory_space<hbm>> -> memref<2x512xf32, #tpu.memory_space<hbm>>
    %dma_wait3A_1030 = arith.constant 0 : i32
    %dma_wait3A_1031 = tpu.memref_slice %arg3[%add3A_945, %dma_wait3A_1030] : memref<512x512xf32, #tpu.memory_space<hbm>> -> memref<2x512xf32, #tpu.memory_space<hbm>>
    tpu.wait_dma2 semaphore(%arg12 : memref<!tpu.dma_semaphore, #tpu.memory_space<semaphore_mem>>) src(%arg6 : memref<2x512xf32, #tpu.memory_space<vmem>>) dst(%dma_wait3A_1031 : memref<2x512xf32, #tpu.memory_space<hbm>>)
    %dma_wait3A_1032 = arith.constant 0 : i32
    %dma_wait3A_1033 = tpu.memref_slice %arg3[%add3A_951, %dma_wait3A_1032] : memref<512x512xf32, #tpu.memory_space<hbm>> -> memref<2x512xf32, #tpu.memory_space<hbm>>
    %dma_wait3A_1034 = arith.constant 0 : i32
    %dma_wait3A_1035 = tpu.memref_slice %arg3[%add3A_951, %dma_wait3A_1034] : memref<512x512xf32, #tpu.memory_space<hbm>> -> memref<2x512xf32, #tpu.memory_space<hbm>>
    tpu.wait_dma2 semaphore(%arg12 : memref<!tpu.dma_semaphore, #tpu.memory_space<semaphore_mem>>) src(%arg6 : memref<2x512xf32, #tpu.memory_space<vmem>>) dst(%dma_wait3A_1035 : memref<2x512xf32, #tpu.memory_space<hbm>>)
    %dma_wait3A_1036 = arith.constant 0 : i32
    %dma_wait3A_1037 = tpu.memref_slice %arg3[%add3A_957, %dma_wait3A_1036] : memref<512x512xf32, #tpu.memory_space<hbm>> -> memref<2x512xf32, #tpu.memory_space<hbm>>
    %dma_wait3A_1038 = arith.constant 0 : i32
    %dma_wait3A_1039 = tpu.memref_slice %arg3[%add3A_957, %dma_wait3A_1038] : memref<512x512xf32, #tpu.memory_space<hbm>> -> memref<2x512xf32, #tpu.memory_space<hbm>>
    tpu.wait_dma2 semaphore(%arg12 : memref<!tpu.dma_semaphore, #tpu.memory_space<semaphore_mem>>) src(%arg6 : memref<2x512xf32, #tpu.memory_space<vmem>>) dst(%dma_wait3A_1039 : memref<2x512xf32, #tpu.memory_space<hbm>>)
    %dma_wait3A_1040 = arith.constant 0 : i32
    %dma_wait3A_1041 = tpu.memref_slice %arg3[%add3A_963, %dma_wait3A_1040] : memref<512x512xf32, #tpu.memory_space<hbm>> -> memref<2x512xf32, #tpu.memory_space<hbm>>
    %dma_wait3A_1042 = arith.constant 0 : i32
    %dma_wait3A_1043 = tpu.memref_slice %arg3[%add3A_963, %dma_wait3A_1042] : memref<512x512xf32, #tpu.memory_space<hbm>> -> memref<2x512xf32, #tpu.memory_space<hbm>>
    tpu.wait_dma2 semaphore(%arg12 : memref<!tpu.dma_semaphore, #tpu.memory_space<semaphore_mem>>) src(%arg6 : memref<2x512xf32, #tpu.memory_space<vmem>>) dst(%dma_wait3A_1043 : memref<2x512xf32, #tpu.memory_space<hbm>>)
    %dma_wait3A_1044 = arith.constant 0 : i32
    %dma_wait3A_1045 = tpu.memref_slice %arg3[%add3A_969, %dma_wait3A_1044] : memref<512x512xf32, #tpu.memory_space<hbm>> -> memref<2x512xf32, #tpu.memory_space<hbm>>
    %dma_wait3A_1046 = arith.constant 0 : i32
    %dma_wait3A_1047 = tpu.memref_slice %arg3[%add3A_969, %dma_wait3A_1046] : memref<512x512xf32, #tpu.memory_space<hbm>> -> memref<2x512xf32, #tpu.memory_space<hbm>>
    tpu.wait_dma2 semaphore(%arg12 : memref<!tpu.dma_semaphore, #tpu.memory_space<semaphore_mem>>) src(%arg6 : memref<2x512xf32, #tpu.memory_space<vmem>>) dst(%dma_wait3A_1047 : memref<2x512xf32, #tpu.memory_space<hbm>>)
    %dma_wait3A_1048 = arith.constant 0 : i32
    %dma_wait3A_1049 = tpu.memref_slice %arg3[%add3A_975, %dma_wait3A_1048] : memref<512x512xf32, #tpu.memory_space<hbm>> -> memref<2x512xf32, #tpu.memory_space<hbm>>
    %dma_wait3A_1050 = arith.constant 0 : i32
    %dma_wait3A_1051 = tpu.memref_slice %arg3[%add3A_975, %dma_wait3A_1050] : memref<512x512xf32, #tpu.memory_space<hbm>> -> memref<2x512xf32, #tpu.memory_space<hbm>>
    tpu.wait_dma2 semaphore(%arg12 : memref<!tpu.dma_semaphore, #tpu.memory_space<semaphore_mem>>) src(%arg6 : memref<2x512xf32, #tpu.memory_space<vmem>>) dst(%dma_wait3A_1051 : memref<2x512xf32, #tpu.memory_space<hbm>>)
    %dma_wait3A_1052 = arith.constant 0 : i32
    %dma_wait3A_1053 = tpu.memref_slice %arg3[%add3A_981, %dma_wait3A_1052] : memref<512x512xf32, #tpu.memory_space<hbm>> -> memref<2x512xf32, #tpu.memory_space<hbm>>
    %dma_wait3A_1054 = arith.constant 0 : i32
    %dma_wait3A_1055 = tpu.memref_slice %arg3[%add3A_981, %dma_wait3A_1054] : memref<512x512xf32, #tpu.memory_space<hbm>> -> memref<2x512xf32, #tpu.memory_space<hbm>>
    tpu.wait_dma2 semaphore(%arg12 : memref<!tpu.dma_semaphore, #tpu.memory_space<semaphore_mem>>) src(%arg6 : memref<2x512xf32, #tpu.memory_space<vmem>>) dst(%dma_wait3A_1055 : memref<2x512xf32, #tpu.memory_space<hbm>>)
    %dma_wait3A_1056 = arith.constant 0 : i32
    %dma_wait3A_1057 = tpu.memref_slice %arg3[%add3A_987, %dma_wait3A_1056] : memref<512x512xf32, #tpu.memory_space<hbm>> -> memref<2x512xf32, #tpu.memory_space<hbm>>
    %dma_wait3A_1058 = arith.constant 0 : i32
    %dma_wait3A_1059 = tpu.memref_slice %arg3[%add3A_987, %dma_wait3A_1058] : memref<512x512xf32, #tpu.memory_space<hbm>> -> memref<2x512xf32, #tpu.memory_space<hbm>>
    tpu.wait_dma2 semaphore(%arg12 : memref<!tpu.dma_semaphore, #tpu.memory_space<semaphore_mem>>) src(%arg6 : memref<2x512xf32, #tpu.memory_space<vmem>>) dst(%dma_wait3A_1059 : memref<2x512xf32, #tpu.memory_space<hbm>>)
    %dma_wait3A_1060 = arith.constant 0 : i32
    %dma_wait3A_1061 = tpu.memref_slice %arg3[%add3A_993, %dma_wait3A_1060] : memref<512x512xf32, #tpu.memory_space<hbm>> -> memref<2x512xf32, #tpu.memory_space<hbm>>
    %dma_wait3A_1062 = arith.constant 0 : i32
    %dma_wait3A_1063 = tpu.memref_slice %arg3[%add3A_993, %dma_wait3A_1062] : memref<512x512xf32, #tpu.memory_space<hbm>> -> memref<2x512xf32, #tpu.memory_space<hbm>>
    tpu.wait_dma2 semaphore(%arg12 : memref<!tpu.dma_semaphore, #tpu.memory_space<semaphore_mem>>) src(%arg6 : memref<2x512xf32, #tpu.memory_space<vmem>>) dst(%dma_wait3A_1063 : memref<2x512xf32, #tpu.memory_space<hbm>>)
    %dma_wait3A_1064 = arith.constant 0 : i32
    %dma_wait3A_1065 = tpu.memref_slice %arg3[%add3A_999, %dma_wait3A_1064] : memref<512x512xf32, #tpu.memory_space<hbm>> -> memref<2x512xf32, #tpu.memory_space<hbm>>
    %dma_wait3A_1066 = arith.constant 0 : i32
    %dma_wait3A_1067 = tpu.memref_slice %arg3[%add3A_999, %dma_wait3A_1066] : memref<512x512xf32, #tpu.memory_space<hbm>> -> memref<2x512xf32, #tpu.memory_space<hbm>>
    tpu.wait_dma2 semaphore(%arg12 : memref<!tpu.dma_semaphore, #tpu.memory_space<semaphore_mem>>) src(%arg6 : memref<2x512xf32, #tpu.memory_space<vmem>>) dst(%dma_wait3A_1067 : memref<2x512xf32, #tpu.memory_space<hbm>>)
    %eq3A = arith.constant 0 : i32
    %eq3A_1068 = arith.cmpi eq, %arg1, %eq3A : i32
    %convert_element_type3A = arith.extui %eq3A_1068 : i1 to i32
    %cond3A = arith.constant 0 : i32
    %cond3A_1069 = arith.cmpi ne, %convert_element_type3A, %cond3A : i32
    scf.if %cond3A_1069 {
      "tpu.region"() ({
        %run_scoped3A = tpu.sem_alloc : memref<!tpu.dma_semaphore, #tpu.memory_space<semaphore_mem>>
        %dma_start3A_1070 = arith.constant 0 : i32
        %dma_start3A_1071 = arith.constant 0 : i32
        %dma_start3A_1072 = tpu.memref_slice %arg3[%dma_start3A_1070, %dma_start3A_1071] : memref<512x512xf32, #tpu.memory_space<hbm>> -> memref<2x512xf32, #tpu.memory_space<hbm>>
        %dma_start3A_1073 = arith.constant 0 : i32
        %dma_start3A_1074 = arith.constant 0 : i32
        %dma_start3A_1075 = tpu.memref_slice %arg3[%dma_start3A_1073, %dma_start3A_1074] : memref<512x512xf32, #tpu.memory_space<hbm>> -> memref<2x512xf32, #tpu.memory_space<hbm>>
        tpu.enqueue_dma source(%arg7 : memref<2x512xf32, #tpu.memory_space<vmem>>) target(%dma_start3A_1075 : memref<2x512xf32, #tpu.memory_space<hbm>>) target_semaphore(%run_scoped3A : memref<!tpu.dma_semaphore, #tpu.memory_space<semaphore_mem>>)
        %dma_wait3A_1076 = arith.constant 0 : i32
        %dma_wait3A_1077 = arith.constant 0 : i32
        %dma_wait3A_1078 = tpu.memref_slice %arg3[%dma_wait3A_1076, %dma_wait3A_1077] : memref<512x512xf32, #tpu.memory_space<hbm>> -> memref<2x512xf32, #tpu.memory_space<hbm>>
        %dma_wait3A_1079 = arith.constant 0 : i32
        %dma_wait3A_1080 = arith.constant 0 : i32
        %dma_wait3A_1081 = tpu.memref_slice %arg3[%dma_wait3A_1079, %dma_wait3A_1080] : memref<512x512xf32, #tpu.memory_space<hbm>> -> memref<2x512xf32, #tpu.memory_space<hbm>>
        tpu.wait_dma2 semaphore(%run_scoped3A : memref<!tpu.dma_semaphore, #tpu.memory_space<semaphore_mem>>) src(%arg7 : memref<2x512xf32, #tpu.memory_space<vmem>>) dst(%dma_wait3A_1081 : memref<2x512xf32, #tpu.memory_space<hbm>>)
        tpu.yield
      }) : () -> ()
    } else {
    }
    return
  }
}

</mosaic_0001>

<sc_bundles>
// kernel: kernel.3.cloned.1.call-start
scs
__scs_entry_jumppad:
0x0: {  	(pc) =	sbr.rel $0x88, $3  }
0x1: {  	(tag) =	ssettag $0x0;
	lr =	simm.s32 $0x1  }
0x2: {  	[smem:$0x3FA0] =	sst lr;
	_ =	strace $0xD0000000  }
0x3: {  	_ = 	snop  }
0x4: {  	_ = 	snop  }
0x5: {  	_ = 	snop  }
0x6: {  	_ = 	snop  }
0x7: {  	_ = 	snop  }
__scs_overlays_trampoline_lowered:
0x8: {  	[smem:$0x3FAF] =	sst s0  }
0x9: {  	[smem:$0x3FB0] =	sst s1  }
0xa: {  	[smem:$0x3FB1] =	sst s2  }
0xb: {  	[smem:$0x3FB2] =	sst s3  }
0xc: {  	[smem:$0x3FB3] =	sst s4  }
0xd: {  	[smem:$0x3FB4] =	sst s5  }
0xe: {  	[smem:$0x3FB5] =	sst s6  }
0xf: {  	[smem:$0x3FB6] =	sst s7  }
0x10: {  	[smem:$0x3FB7] =	sst s8  }
0x11: {  	[smem:$0x3FB8] =	sst s9;
	s0 =	simm.s32 @!p0 $0x0  }
0x12: {  	s1 =	sld [smem:$0x3F9E];
	s0 =	simm.s32 @p0 $0x1  }
0x13: {  	[smem:$0x3FB9] =	sst s0;
	s0 =	simm.s32 @!p1 $0x0  }
0x14: {  	s2 =	sld [smem:$0x3F9D];
	s0 =	simm.s32 @p1 $0x1  }
0x15: {  	[smem:$0x3FBA] =	sst s0;
	s0 =	simm.s32 @!p2 $0x0  }
0x16: {  	s3 =	sld [smem:$0x3FDB];
	s0 =	simm.s32 @p2 $0x1  }
0x17: {  	s4 =	simm.s32 $0x1BF5;
	[smem:$0x3FBC] =	sst s0  }
0x18: {  	s0 =	sld [smem:$0x3F9F];
	_ =	swait.ge [sflag:s4], $0x0  }
0x19: {  	s7 =	sld [smem:$0x3FA0]  }
0x1a: {  	s8 =	sadd.s32 $0xFFFFE003, lr  }
0x1b: {  	s9 =	sadd.s32 $0xFFFFFEF7, lr;
	s5 =	simm.s32 $0xFFFFFFFF;
	p2 =	slt.u32 s8, $0xFFFFF086  }
0x1c: {  	p1 =	slt.u32 s9, $0xF7A;
	s5 =	simm.s32 @!p2 $0x0  }
0x1d: {  	s5 =	simm.s32 @p1 $0x1;
	p0 =	seq.s32 s7, s2  }
0x1e: {  	s7 =	smul.u32 @!p0 $0xF7A, s2;
	p2 =	seq.s32 @!p0 s5, $0x0  }
0x1f: {  	s9 =	smul.u32 $0xF7A, s1;
	s8 =	simm.s32 @!p0 $0x1BF5;
	p2 =	por !p2, p0  }
0x20: {  	[sflag:s8] =	ssyncset.s32 @!p0 $0xFFFFF086;
	s6 =	sadd.s32 @!p0 s3, s7;
	s7 =	simm.s32 @!p0 $0x108  }
0x21: {  	s3 =	sadd.s32 s3, s9;
	s6 =	sadd.s32 @!p0 $0x88, s6;
	s7 =	simm.s32 @p2 $0x1082  }
0x22: {  	[simem:s7], [sflag:s8] =	dma.local @!p0 [hbm:s6], $0xF7A  }
0x23: {  	s9 =	sor.u32 $0xD0000000, s2;
	s6 =	simm.s32 $0x108;
	_ =	swait.ge @!p0 [sflag:s8], $0x0  }
0x24: {  	s3 =	sadd.s32 $0x88, s3;
	s6 =	simm.s32 @!p1 $0x1082;
	[sflag:s4] =	ssyncset.s32 $0xFFFFF086  }
0x25: {  	[simem:s6], [sflag:s4] =	dma.local [hbm:s3], $0xF7A  }
0x26: {  	[smem:$0x3FA0] =	sst s1;
	(tag) =	ssettag s2;
	_ =	strace s9  }
0x27: {  	s1 =	sld [smem:$0x3FB0]  }
0x28: {  	s2 =	sld [smem:$0x3FB1]  }
0x29: {  	s4 =	sld [smem:$0x3FB3]  }
0x2a: {  	p0 =	seq.s32 s5, $0x0;
	s5 =	sld [smem:$0x3FB4]  }
0x2b: {  	s6 =	sld [smem:$0x3FB5]  }
0x2c: {  	s7 =	sld [smem:$0x3FB6]  }
0x2d: {  	s3 =	simm.s32 $0x108;
	s8 =	sld [smem:$0x3FB7]  }
0x2e: {  	s3 =	simm.s32 @!p0 $0x1082;
	s9 =	sld [smem:$0x3FB8]  }
0x2f: {  	lr =	sadd.s32 s0, s3;
	s0 =	sld [smem:$0x3FAF]  }
0x30: {  	s3 =	sld [smem:$0x3FB2]  }
0x31: {  	[smem:$0x3FBB] =	sst s10  }
0x32: {  	s10 =	sld [smem:$0x3FB9];
	_ =	sdelay $0x3  }
0x33: {  	p0 =	seq.s32 s10, $0x1;
	s10 =	sld [smem:$0x3FBB];
	_ =	sdelay $0x3  }
0x34: {  	[smem:$0x3FBB] =	sst s10  }
0x35: {  	s10 =	sld [smem:$0x3FBA];
	_ =	sdelay $0x3  }
0x36: {  	p1 =	seq.s32 s10, $0x1;
	s10 =	sld [smem:$0x3FBB];
	_ =	sdelay $0x3  }
0x37: {  	[smem:$0x3FBB] =	sst s10  }
0x38: {  	s10 =	sld [smem:$0x3FBC]  }
0x39: {  	_ = 	snop;
	(pc) =	sbr.ind lr, $3  }
0x3a: {  	_ = 	snop  }
0x3b: {  	_ = 	snop  }
0x3c: {  	p2 =	seq.s32 s10, $0x1;
	s10 =	sld [smem:$0x3FBB]  }
0x3d: {  	_ =	shalt  }
0x3e: {  	_ =	shalt  }
0x3f: {  	_ =	shalt  }
0x40: {  	_ =	shalt  }
0x41: {  	_ =	shalt  }
0x42: {  	_ =	shalt  }
0x43: {  	_ =	shalt  }
0x44: {  	_ =	shalt  }
0x45: {  	_ =	shalt  }
0x46: {  	_ =	shalt  }
0x47: {  	_ =	shalt  }
0x48: {  	_ =	shalt  }
0x49: {  	_ =	shalt  }
0x4a: {  	_ =	shalt  }
0x4b: {  	_ =	shalt  }
0x4c: {  	_ =	shalt  }
0x4d: {  	_ =	shalt  }
0x4e: {  	_ =	shalt  }
0x4f: {  	_ =	shalt  }
0x50: {  	_ =	shalt  }
0x51: {  	_ =	shalt  }
0x52: {  	_ =	shalt  }
0x53: {  	_ =	shalt  }
0x54: {  	_ =	shalt  }
0x55: {  	_ =	shalt  }
0x56: {  	_ =	shalt  }
0x57: {  	_ =	shalt  }
0x58: {  	_ =	shalt  }
0x59: {  	_ =	shalt  }
0x5a: {  	_ =	shalt  }
0x5b: {  	_ =	shalt  }
0x5c: {  	_ =	shalt  }
0x5d: {  	_ =	shalt  }
0x5e: {  	_ =	shalt  }
0x5f: {  	_ =	shalt  }
0x60: {  	_ =	shalt  }
0x61: {  	_ =	shalt  }
0x62: {  	_ =	shalt  }
0x63: {  	_ =	shalt  }
0x64: {  	_ =	shalt  }
0x65: {  	_ =	shalt  }
0x66: {  	_ =	shalt  }
0x67: {  	_ =	shalt  }
0x68: {  	_ =	shalt  }
0x69: {  	_ =	shalt  }
0x6a: {  	_ =	shalt  }
0x6b: {  	_ =	shalt  }
0x6c: {  	_ =	shalt  }
0x6d: {  	_ =	shalt  }
0x6e: {  	_ =	shalt  }
0x6f: {  	_ =	shalt  }
0x70: {  	_ =	shalt  }
0x71: {  	_ =	shalt  }
0x72: {  	_ =	shalt  }
0x73: {  	_ =	shalt  }
0x74: {  	_ =	shalt  }
0x75: {  	_ =	shalt  }
0x76: {  	_ =	shalt  }
0x77: {  	_ =	shalt  }
0x78: {  	_ =	shalt  }
0x79: {  	_ =	shalt  }
0x7a: {  	_ =	shalt  }
0x7b: {  	_ =	shalt  }
0x7c: {  	_ =	shalt  }
0x7d: {  	_ =	shalt  }
0x7e: {  	_ =	shalt  }
0x7f: {  	_ =	shalt  }
0x80: {  	_ =	shalt  }
0x81: {  	_ =	shalt  }
0x82: {  	_ =	shalt  }
0x83: {  	_ =	shalt  }
0x84: {  	_ =	shalt  }
0x85: {  	_ =	shalt  }
0x86: {  	_ =	shalt  }
0x87: {  	_ =	shalt  }
.Lfunc_end0:
.L_simem_size_0:
called_computation_lowered:
.L_overlay_start_0:
0x88: {  	s0 =	sld [smem:$0x3FD9]  }
0x89: {  	s1 =	sld [smem:$0x3FFE];
	_ =	sdelay $0x3  }
0x8a: {  	s0 =	sadd.s32 s1, s0  }
0x8b: {  	[smem:$0x3FC7] =	sst s0  }
0x8c: {  	_ = 	snop  }
0x8d: {  	s0 =	sld [smem:$0x3FC9]  }
0x8e: {  	s17 =	sld [smem:$0x3FD0];
	(tm) =	ssettm $0x1  }
0x8f: {  	s2 =	sld [smem:$0x3FFB];
	_ =	sdelay $0x3  }
0x90: {  	_ =	strace s2  }
0x91: {  	s2 =	sld [smem:$0x3FFC];
	_ =	sdelay $0x3  }
0x92: {  	_ =	strace s2  }
0x93: {  	s2 =	sld [smem:$0x3FFD];
	_ =	sdelay $0x3  }
0x94: {  	_ =	strace s2  }
0x95: {  	_ =	strace $0x8FFFFFFF  }
0x96: {  	s18 =	sld [smem:$0x3FDB];
	_ =	sdelay $0x1  }
0x97: {  	s3 =	simm.s32 $_scs_section_size  }
0x98: {  	s4 =	simm.s32 $_size__tile_overlayer_lowered;
	s5 =	simm.s32 $_tile_overlayer_lowered  }
0x99: {  	s21 =	simm.s32 $0x1BFF;
	s20 =	sshll.u32 s5, $0x1;
	s2 =	sadd.s32 s3, s18  }
0x9a: {  	s6 =	simm.s32 $0x0;
	s19 =	sshll.u32 s4, $0x1;
	s4 =	sadd.s32 s20, s2  }
0x9b: {  	[timem:s6], [sflag:s21] =	dma.local [hbm:s4], s19  }
0x9c: {  	_ =	swait.ge [sflag:s21], s19  }
0x9d: {  	s3 =	ssub.s32 $0x0, s19;
	[sflag:s21] =	ssyncset.done $0x0  }
0x9e: {  	[sflag:s21] =	ssyncadd.s32 s3;
	_ =	sdelay $0x1  }
0x9f: {  	s22 =	simm.s32 $0x1B8B  }
0xa0: {  	_ =	swait.ge [sflag:s22], $0x1  }
0xa1: {  	[sflag:s22] =	ssyncset.done $0x0  }
0xa2: {  	s23 =	simm.s32 $0x1B8E;
	[sflag:s22] =	ssyncadd.s32 $0xFFFFFFFF  }
0xa3: {  	s24 =	simm.s32 $execute0_lowered;
	[smem:$0x3FD2] =	sst s23  }
0xa4: {  	s3 =	sshll.u32 s24, $0x1;
	_ =	strace $0x80000046;
	[dreg:$0x1] =	wrdreg $0xFFFFFFFF  }
0xa5: {  	s25 =	simm.s32 $_size_execute0_lowered;
	s2 =	sadd.s32 s2, s3;
	[dreg:$0x0] =	wrdreg $0x0  }
0xa6: {  	s3 =	sshll.u32 s25, $0x1;
	[dreg:$0x2] =	wrdreg s2  }
0xa7: {  	[dreg:$0x3] =	wrdreg s3  }
0xa8: {  	[dreg:$0x4] =	wrdreg $0xC0  }
0xa9: {  	_ =	task [dreg:s6], $0x5FFFF  }
0xaa: {  	[dreg:$0x1] =	wrdreg $0xFFFFFFFF  }
0xab: {  	[dreg:$0x0] =	wrdreg $0x60  }
0xac: {  	[dreg:$0x2] =	wrdreg s0  }
0xad: {  	[dreg:$0x3] =	wrdreg s17  }
0xae: {  	[dreg:$0x4] =	wrdreg $0x49000  }
0xaf: {  	[dreg:$0x5] =	wrdreg $0x9  }
0xb0: {  	_ =	task.clear_ibuf [dreg:s6], $0x6FFFF;
	_ =	strace $0x90000046  }
0xb1: {  	s26 =	simm.s32 $0x9;
	_ =	strace $0x80000048  }
0xb2: {  	_ =	swait.ge [sflag:s26], $0x1  }
0xb3: {  	[sflag:s26] =	ssyncadd.s32 $0xFFFFFFFF  }
0xb4: {  	_ =	strace $0x90000048  }
0xb5: {  	_ =	sfence  }
0xb6: {  	s28 =	sld [smem:$0x0];
	_ =	sdelay $0x1  }
0xb7: {  	s29 =	srdreg.scid  }
0xb8: {  	s30 =	sshll.u32 s29, $0xD;
	s31 =	sshrl.u32 s29, $0x2  }
0xb9: {  	s1 =	sand.u32 $0x1, s29;
	s2 =	sand.u32 $0x4000, s30;
	s0 =	sadd.s32 s31, s28  }
0xba: {  	s1 =	sor.u32 s2, s1;
	s0 =	sshll.u32 s0, $0x11  }
0xbb: {  	s0 =	sor.u32 s0, s1  }
0xbc: {  	s0 =	sadd.s32 $0x8F2B, s0  }
0xbd: {  	[sflag:s0] =	ssyncadd.remote.s32 $0x1  }
0xbe: {  	_ =	sfence.sel $0xFFFF  }
0xbf: {  	[dreg:$0x0] =	wrdreg $0xFFFFFFFF;
	(pc) =	sbr.abs _section_cstart, $3  }
0xc0: {  	[dreg:$0x1] =	wrdreg $0xFFFFFFFF  }
0xc1: {  	_ =	task.clear_ibuf [dreg:s6], $0x2FFFF;
	_ =	strace $0x9FFFFFFF  }
0xc2: {  	(tm) =	ssettm $0x7FFFFFFF  }
0xc3: {  	_ =	shalt  }
tec
execute0_lowered:
.L_overlay_start_1:
0x0: {  	(tag) =	ssettag $0x1  }
0x1: {  	s6 =	rddreg [dreg:$0x0]  }
0x2: {  	s1 =	rddreg [dreg:$0x1]  }
0x3: {  	s5 =	rddreg [dreg:$0x2]  }
0x4: {  	s0 =	rddreg [dreg:$0x3];
	s7 =	simm.s32 $0x0;
	s2 =	stileid.u32  }
0x5: {  	[smem:$0x7FF] =	sst s7;
	s4 =	sshll.u32 s2, $0xB  }
0x6: {  	_ =	strace $0x80000047;
	s8 =	sadd.s32 s6, s4;
	s3 =	sor.u32 $0x400, s4  }
0x7: {  	[tilespmem:s7], [sflag:$0x1] =	stream.linear.gather [hbm4b:s8+s7], $0x2000, $0x38;
	[tilespmem:$0x4910] =	vst v63  }
0x8: {  	s24 =	simm.s32 $0x2000;
	s25 =	simm.s32 $0x1;
	s6 =	sadd.s32 s6, s3  }
0x9: {  	[tilespmem:s24], [sflag:$0x2] =	stream.linear.gather [hbm4b:s6+s7], $0x2000, $0x38;
	[tilespmem:$0x4910] =	vst v63  }
0xa: {  	_ =	swait.ge [sflag:s25], $0x2000  }
0xb: {  	s26 =	sand.u32 $0x70, s7;
	s9 =	sand.u32 $0xC00, s7;
	[sflag:s25] =	ssyncset.done $0x0  }
0xc: {  	s28 =	sor.u32 s26, s9;
	[sflag:s25] =	ssyncadd.s32 $0xFFFFE000  }
0xd: {  	v1 =	vld [tilespmem:s28+$0x1180]  }
0xe: {  	v3 =	vld [tilespmem:s28+$0x1080]  }
0xf: {  	v2 =	vld [tilespmem:s28+$0x1280]  }
0x10: {  	v4 =	vld [tilespmem:s28+$0x300]  }
0x11: {  	v5 =	vld [tilespmem:s28+$0x1000]  }
0x12: {  	v6 =	vld [tilespmem:s28+$0x100]  }
0x13: {  	v7 =	vld [tilespmem:s28+$0x280]  }
0x14: {  	v8 =	vld [tilespmem:s28+$0x200]  }
0x15: {  	v9 =	vld [tilespmem:s28+$0x1300]  }
0x16: {  	v10 =	vld [tilespmem:s28+$0x80]  }
0x17: {  	v11 =	vld [tilespmem:s28+$0x180]  }
0x18: {  	v12 =	vld [tilespmem:s28+$0x1100]  }
0x19: {  	v13 =	vld [tilespmem:s28+$0x1200]  }
0x1a: {  	s29 =	simm.s32 $0x10;
	s30 =	simm.s32 $0x80;
	s7 =	sor.u32 s7, s7;
	v14 =	vld [tilespmem:s28+$0x1380]  }
0x1b: {  	s10 =	sand.u32 $0x70, s29;
	s11 =	sand.u32 $0xC00, s30;
	s7 =	sor.u32 $0x380, s7;
	v15 =	vld [tilespmem:s28+$0x0]  }
0x1c: {  	s6 =	sor.u32 s10, s11;
	v16 =	vld [tilespmem:s7+$0x0]  }
0x1d: {  	v0 =	vld [tilespmem:s6+$0x1180]  }
0x1e: {  	v17 =	vld [tilespmem:s6+$0x1280];
	vm0 =	vgt.s32 v7, v2;
	vm1 =	vgt.s32 v4, v9;
	vm2 =	vgt.s32 v6, v12  }
0x1f: {  	v7 =	vsel vm0, v7, v2;
	vm0 =	vgt.s32 v10, v3;
	v2 =	vld [tilespmem:s6+$0x1080];
	v6 =	vsel vm2, v6, v12  }
0x20: {  	vm2 =	vgt.s32 v8, v13;
	v9 =	vsel vm1, v4, v9;
	v4 =	vld [tilespmem:s6+$0x100];
	vm1 =	vgt.s32 v15, v5  }
0x21: {  	v10 =	vsel vm0, v10, v3;
	vm0 =	vgt.s32 v11, v1;
	v3 =	vld [tilespmem:s6+$0x1000];
	v12 =	vsel vm2, v8, v13  }
0x22: {  	vm2 =	vgt.s32 v16, v14;
	v13 =	vsel vm1, v15, v5;
	vm1 =	vgt.s32 v6, v9;
	v15 =	vld [tilespmem:s6+$0x280]  }
0x23: {  	v5 =	vld [tilespmem:s6+$0x200];
	v11 =	vsel vm0, v11, v1;
	vm0 =	vgt.s32 v10, v7;
	v14 =	vsel vm2, v16, v14  }
0x24: {  	v8 =	vld [tilespmem:s6+$0x1300];
	v6 =	vsel vm1, v6, v9;
	vm1 =	vgt.s32 v13, v12;
	vm2 =	vgt.s32 v11, v14  }
0x25: {  	v1 =	vld [tilespmem:s6+$0x300];
	v9 =	vsel vm1, v13, v12;
	v7 =	vsel vm0, v10, v7;
	v12 =	vsel vm2, v11, v14  }
0x26: {  	v10 =	vld [tilespmem:s6+$0x180];
	vm0 =	vgt.s32 v9, v6;
	vm1 =	vgt.s32 v7, v12  }
0x27: {  	v11 =	vld [tilespmem:s6+$0x80];
	v6 =	vsel vm0, v9, v6;
	v9 =	vsel vm1, v7, v12  }
0x28: {  	v13 =	vld [tilespmem:s6+$0x1200];
	vm0 =	vgt.s32 v6, v9  }
0x29: {  	s31 =	sor.u32 s30, s29;
	v12 =	vld [tilespmem:s6+$0x1100];
	v7 =	vimm.s32 $0x0;
	vm1 =	vgt.s32 v15, v17;
	v14 =	vsel vm0, v6, v9  }
0x2a: {  	s8 =	simm.s32 $0x100;
	s10 =	simm.s32 $0x20;
	s7 =	sor.u32 $0x380, s31;
	v6 =	vsel vm1, v15, v17;
	v9 =	vld [tilespmem:s6+$0x1380];
	vm0 =	vgt.s32 v1, v8;
	vm1 =	vgt.s32 v7, v14  }
.LBB2_1:
0x2b: {  	s9 =	sand.u32 $0x70, s10  }
0x2c: {  	s11 =	sand.u32 $0xC00, s8;
	s12 =	sor.u32 s8, s10;
	v15 =	vld [tilespmem:s6+$0x0];
	vm2 =	vgt.s32 v11, v2;
	v7 =	vsel vm1, v7, v14;
	s6 =	smov.u32 s10  }
0x2d: {  	s6 =	sor.u32 s9, s11;
	s9 =	sadd.s32 $0x10, s10;
	v14 =	vld [tilespmem:s7+$0x0];
	s7 =	sor.u32 $0x380, s12;
	v11 =	vsel vm2, v11, v2;
	vm1 =	vgt.s32 v10, v0  }
0x2e: {  	p0 =	sne.s32 s10, $0x1F0;
	vm2 =	vgt.s32 v4, v12;
	v10 =	vsel vm1, v10, v0;
	v0 =	vld [tilespmem:s6+$0x1180];
	vm1 =	vgt.s32 v11, v6  }
0x2f: {  	v8 =	vsel vm0, v1, v8;
	v2 =	vld [tilespmem:s6+$0x1080];
	v4 =	vsel vm2, v4, v12;
	vm2 =	vgt.s32 v5, v13  }
0x30: {  	v16 =	vld [tilespmem:s6+$0x1280];
	v12 =	vsel vm2, v5, v13;
	vm0 =	vgt.s32 v4, v8  }
0x31: {  	v1 =	vld [tilespmem:s6+$0x300];
	v13 =	vsel vm0, v4, v8  }
0x32: {  	v17 =	vld [tilespmem:s6+$0x1000]  }
0x33: {  	vm0 =	vgt.s32 v15, v3;
	vm2 =	vgt.s32 v14, v9;
	v4 =	vld [tilespmem:s6+$0x100]  }
0x34: {  	v3 =	vsel vm0, v15, v3;
	v9 =	vsel vm2, v14, v9;
	v18 =	vld [tilespmem:s6+$0x280]  }
0x35: {  	vm0 =	vgt.s32 v3, v12;
	vm2 =	vgt.s32 v10, v9;
	v5 =	vld [tilespmem:s6+$0x200]  }
0x36: {  	v6 =	vsel vm1, v11, v6;
	v12 =	vsel vm0, v3, v12;
	v9 =	vsel vm2, v10, v9;
	v8 =	vld [tilespmem:s6+$0x1300]  }
.Ltmp0:
0x37: {  	vm0 =	vgt.s32 v12, v13;
	vm1 =	vgt.s32 v6, v9;
	v11 =	vld [tilespmem:s6+$0x80];
	v3 =	vmov v17;
	(pc) =	sbr.rel @p0 .LBB2_1-.Ltmp0, $4  }
0x38: {  	v14 =	vsel vm0, v12, v13;
	v9 =	vsel vm1, v6, v9;
	v10 =	vld [tilespmem:s6+$0x180]  }
0x39: {  	vm1 =	vgt.s32 v14, v9;
	v12 =	vld [tilespmem:s6+$0x1100];
	vm0 =	vgt.s32 v18, v16  }
0x3a: {  	v14 =	vsel vm1, v14, v9;
	v13 =	vld [tilespmem:s6+$0x1200];
	v6 =	vsel vm0, v18, v16  }
0x3b: {  	s8 =	sadd.s32 $0x80, s8;
	s10 =	smov.u32 s9;
	vm1 =	vgt.s32 v7, v14;
	v9 =	vld [tilespmem:s6+$0x1380];
	vm0 =	vgt.s32 v1, v8  }
0x3c: {  	v15 =	vld [tilespmem:s6+$0x0];
	s25 =	simm.s32 $0x2  }
0x3d: {  	v16 =	vld [tilespmem:s7+$0x0];
	s26 =	simm.s32 $0x0;
	_ =	swait.ge [sflag:s25], $0x2000  }
0x3e: {  	s8 =	sand.u32 $0x70, s26;
	s9 =	sand.u32 $0xC00, s26;
	[sflag:s25] =	ssyncset.done $0x0  }
0x3f: {  	s28 =	sor.u32 s8, s9;
	[sflag:s25] =	ssyncadd.s32 $0xFFFFE000  }
0x40: {  	v17 =	vld [tilespmem:s28+$0x3180]  }
0x41: {  	v18 =	vld [tilespmem:s28+$0x3080]  }
0x42: {  	v19 =	vld [tilespmem:s28+$0x3280]  }
0x43: {  	v20 =	vld [tilespmem:s28+$0x2300]  }
0x44: {  	v21 =	vld [tilespmem:s28+$0x3000]  }
0x45: {  	v22 =	vld [tilespmem:s28+$0x2100]  }
0x46: {  	v23 =	vld [tilespmem:s28+$0x2280]  }
0x47: {  	vm2 =	vgt.s32 v11, v2;
	v14 =	vsel vm1, v7, v14;
	v24 =	vld [tilespmem:s28+$0x2200]  }
0x48: {  	v1 =	vsel vm0, v1, v8;
	v2 =	vsel vm2, v11, v2;
	vm1 =	vgt.s32 v10, v0;
	v7 =	vld [tilespmem:s28+$0x3300]  }
0x49: {  	vm2 =	vgt.s32 v4, v12;
	v0 =	vsel vm1, v10, v0;
	vm1 =	vgt.s32 v5, v13;
	v11 =	vld [tilespmem:s28+$0x2080]  }
0x4a: {  	s30 =	simm.s32 $0x10;
	s31 =	simm.s32 $0x80;
	v4 =	vsel vm2, v4, v12;
	v10 =	vld [tilespmem:s28+$0x2180];
	v5 =	vsel vm1, v5, v13;
	vm0 =	vgt.s32 v15, v3  }
0x4b: {  	s10 =	sand.u32 $0x70, s30;
	s11 =	sand.u32 $0xC00, s31;
	v8 =	vld [tilespmem:s28+$0x3100];
	vm1 =	vgt.s32 v4, v1;
	v3 =	vsel vm0, v15, v3;
	vm0 =	vgt.s32 v16, v9  }
0x4c: {  	s29 =	sor.u32 s26, s26;
	s6 =	sor.u32 s10, s11;
	v12 =	vld [tilespmem:s28+$0x3200];
	v1 =	vsel vm1, v4, v1;
	v4 =	vsel vm0, v16, v9;
	vm0 =	vgt.s32 v3, v5  }
0x4d: {  	s8 =	sor.u32 $0x380, s29;
	v61 =	vld [tilespmem:s6+$0x3280];
	vm1 =	vgt.s32 v2, v6;
	v3 =	vsel vm0, v3, v5;
	vm0 =	vgt.s32 v0, v4  }
0x4e: {  	v2 =	vsel vm1, v2, v6;
	v6 =	vld [tilespmem:s8+$0x2000];
	v4 =	vsel vm0, v0, v4  }
0x4f: {  	v5 =	vld [tilespmem:s28+$0x2000];
	vm0 =	vgt.s32 v3, v1;
	vm1 =	vgt.s32 v2, v4  }
0x50: {  	v9 =	vld [tilespmem:s28+$0x3380];
	v13 =	vsel vm0, v3, v1;
	vm0 =	vgt.s32 v23, v19;
	v4 =	vsel vm1, v2, v4  }
0x51: {  	v63 =	vld [tilespmem:s6+$0x2280];
	v15 =	vsel vm0, v23, v19;
	vm0 =	vgt.s32 v11, v18;
	vm1 =	vgt.s32 v22, v8  }
0x52: {  	v0 =	vld [tilespmem:s6+$0x3180];
	v11 =	vsel vm0, v11, v18;
	vm0 =	vgt.s32 v10, v17;
	v8 =	vsel vm1, v22, v8  }
0x53: {  	v1 =	vld [tilespmem:s6+$0x2300];
	vm1 =	vgt.s32 v24, v12;
	v10 =	vsel vm0, v10, v17;
	vm0 =	vgt.s32 v20, v7  }
0x54: {  	v3 =	vld [tilespmem:s6+$0x3000];
	v12 =	vsel vm1, v24, v12;
	v7 =	vsel vm0, v20, v7;
	vm0 =	vgt.s32 v5, v21  }
0x55: {  	v2 =	vld [tilespmem:s6+$0x3080];
	vm1 =	vgt.s32 v11, v15;
	v62 =	vsel vm0, v5, v21;
	vm0 =	vgt.s32 v6, v9  }
0x56: {  	v15 =	vsel vm1, v11, v15;
	v11 =	vld [tilespmem:s6+$0x2180];
	vm2 =	vgt.s32 v8, v7;
	v9 =	vsel vm0, v6, v9  }
0x57: {  	v5 =	vld [tilespmem:s6+$0x2100];
	v8 =	vsel vm2, v8, v7;
	vm0 =	vgt.s32 v62, v12;
	vm2 =	vgt.s32 v10, v9  }
0x58: {  	v7 =	vld [tilespmem:s6+$0x3300];
	v12 =	vsel vm0, v62, v12;
	v9 =	vsel vm2, v10, v9  }
0x59: {  	v6 =	vld [tilespmem:s6+$0x2200];
	vm0 =	vgt.s32 v13, v4;
	vm1 =	vgt.s32 v12, v8;
	vm2 =	vgt.s32 v15, v9  }
0x5a: {  	v10 =	vld [tilespmem:s6+$0x2080];
	v4 =	vsel vm0, v13, v4;
	v8 =	vsel vm1, v12, v8;
	v9 =	vsel vm2, v15, v9  }
0x5b: {  	v13 =	vld [tilespmem:s6+$0x3200];
	vm0 =	vgt.s32 v14, v4;
	vm1 =	vgt.s32 v8, v9  }
0x5c: {  	s7 =	sor.u32 s31, s30;
	v12 =	vld [tilespmem:s6+$0x3100];
	v4 =	vsel vm0, v14, v4;
	vm0 =	vgt.s32 v63, v61;
	v14 =	vsel vm1, v8, v9  }
0x5d: {  	s7 =	sor.u32 $0x380, s7;
	s10 =	simm.s32 $0x20;
	s8 =	simm.s32 $0x100;
	v8 =	vsel vm0, v63, v61;
	v9 =	vld [tilespmem:s6+$0x3380];
	vm0 =	vgt.s32 v1, v7;
	vm1 =	vgt.s32 v4, v14  }
.LBB2_3:
0x5e: {  	s9 =	sand.u32 $0x70, s10  }
0x5f: {  	s11 =	sand.u32 $0xC00, s8;
	s12 =	sor.u32 s8, s10;
	v15 =	vld [tilespmem:s6+$0x2000];
	vm2 =	vgt.s32 v10, v2;
	v4 =	vsel vm1, v4, v14;
	s6 =	smov.u32 s10  }
0x60: {  	s6 =	sor.u32 s9, s11;
	s9 =	sadd.s32 $0x10, s10;
	v14 =	vld [tilespmem:s7+$0x2000];
	s7 =	sor.u32 $0x380, s12;
	v10 =	vsel vm2, v10, v2;
	vm1 =	vgt.s32 v11, v0  }
0x61: {  	p0 =	sne.s32 s10, $0x1F0;
	vm2 =	vgt.s32 v5, v12;
	v11 =	vsel vm1, v11, v0;
	v0 =	vld [tilespmem:s6+$0x3180];
	vm1 =	vgt.s32 v10, v8  }
0x62: {  	v7 =	vsel vm0, v1, v7;
	v2 =	vld [tilespmem:s6+$0x3080];
	v5 =	vsel vm2, v5, v12;
	vm2 =	vgt.s32 v6, v13  }
0x63: {  	v16 =	vld [tilespmem:s6+$0x3280];
	v12 =	vsel vm2, v6, v13;
	vm0 =	vgt.s32 v5, v7  }
0x64: {  	v1 =	vld [tilespmem:s6+$0x2300];
	v13 =	vsel vm0, v5, v7  }
0x65: {  	v17 =	vld [tilespmem:s6+$0x3000]  }
0x66: {  	vm0 =	vgt.s32 v15, v3;
	vm2 =	vgt.s32 v14, v9;
	v5 =	vld [tilespmem:s6+$0x2100]  }
0x67: {  	v3 =	vsel vm0, v15, v3;
	v9 =	vsel vm2, v14, v9;
	v18 =	vld [tilespmem:s6+$0x2280]  }
0x68: {  	vm0 =	vgt.s32 v3, v12;
	vm2 =	vgt.s32 v11, v9;
	v6 =	vld [tilespmem:s6+$0x2200]  }
0x69: {  	v8 =	vsel vm1, v10, v8;
	v12 =	vsel vm0, v3, v12;
	v9 =	vsel vm2, v11, v9;
	v7 =	vld [tilespmem:s6+$0x3300]  }
.Ltmp1:
0x6a: {  	vm0 =	vgt.s32 v12, v13;
	vm1 =	vgt.s32 v8, v9;
	v10 =	vld [tilespmem:s6+$0x2080];
	v3 =	vmov v17;
	(pc) =	sbr.rel @p0 .LBB2_3-.Ltmp1, $4  }
0x6b: {  	v14 =	vsel vm0, v12, v13;
	v9 =	vsel vm1, v8, v9;
	v11 =	vld [tilespmem:s6+$0x2180]  }
0x6c: {  	vm1 =	vgt.s32 v14, v9;
	v12 =	vld [tilespmem:s6+$0x3100];
	vm0 =	vgt.s32 v18, v16  }
0x6d: {  	v14 =	vsel vm1, v14, v9;
	v13 =	vld [tilespmem:s6+$0x3200];
	v8 =	vsel vm0, v18, v16  }
0x6e: {  	s8 =	sadd.s32 $0x80, s8;
	s10 =	smov.u32 s9;
	vm1 =	vgt.s32 v4, v14;
	v9 =	vld [tilespmem:s6+$0x3380];
	vm0 =	vgt.s32 v1, v7  }
0x6f: {  	v15 =	vld [tilespmem:s6+$0x2000]  }
0x70: {  	v16 =	vld [tilespmem:s7+$0x2000];
	_ =	sdelay $0x1  }
0x71: {  	vm2 =	vgt.s32 v10, v2;
	v1 =	vsel vm0, v1, v7;
	vm7 =	vgt.s32 v11, v0  }
0x72: {  	v2 =	vsel vm2, v10, v2;
	v0 =	vsel vm7, v11, v0;
	vm8 =	vgt.s32 v5, v12  }
0x73: {  	vm3 =	vgt.s32 v2, v8;
	v5 =	vsel vm8, v5, v12;
	vm9 =	vgt.s32 v6, v13  }
0x74: {  	v2 =	vsel vm3, v2, v8;
	vm10 =	vgt.s32 v15, v3;
	vm11 =	vgt.s32 v16, v9  }
0x75: {  	v6 =	vsel vm9, v6, v13;
	v3 =	vsel vm10, v15, v3;
	v44 =	vsel vm11, v16, v9  }
0x76: {  	vm12 =	vgt.s32 v5, v1;
	vm13 =	vgt.s32 v3, v6;
	vm2 =	vgt.s32 v0, v44  }
0x77: {  	v1 =	vsel vm12, v5, v1;
	v3 =	vsel vm13, v3, v6;
	v0 =	vsel vm2, v0, v44  }
0x78: {  	vm0 =	vgt.s32 v3, v1;
	vm2 =	vgt.s32 v2, v0  }
0x79: {  	v1 =	vsel vm0, v3, v1;
	v0 =	vsel vm2, v2, v0  }
0x7a: {  	vm0 =	vgt.s32 v1, v0  }
0x7b: {  	v45 =	vsel vm1, v4, v14;
	v0 =	vsel vm0, v1, v0  }
0x7c: {  	vm0 =	vgt.s32 v45, v0  }
0x7d: {  	s11 =	sshll.u32 s2, $0x4;
	v0 =	vsel vm0, v45, v0  }
0x7e: {  	s12 =	simm.s32 $0x4800;
	s13 =	simm.s32 $0x4;
	s6 =	sadd.s32 s11, s5;
	[tilespmem:$0x4800] =	vst v0  }
0x7f: {  	[spmem:s6] =	stream.linear.scatter [tilespmem:s12], [sflag:$0x4], $0x10, $0x38;
	[tilespmem:$0x4910] =	vst v63  }
0x80: {  	_ =	swait.ge [sflag:s13], $0x10  }
0x81: {  	[sflag:s13] =	ssyncset.done $0x0  }
0x82: {  	[sflag:s13] =	ssyncadd.s32 $0xFFFFFFF0  }
0x83: {  	[bflag:$0x0] =	sbarrier.arrive $0xFFFF  }
0x84: {  	[tilespmem:s12], [sflag:$0x4] =	stream.linear.gather [spmem:s5], $0x100, $0x38;
	[tilespmem:$0x4910] =	vst v63  }
0x85: {  	_ =	swait.ge [sflag:s13], $0x100  }
0x86: {  	[sflag:s13] =	ssyncset.done $0x0  }
0x87: {  	[sflag:s13] =	ssyncadd.s32 $0xFFFFFF00  }
0x88: {  	v46 =	vld [tilespmem:$0x4800]  }
0x89: {  	v47 =	vld [tilespmem:$0x4810]  }
0x8a: {  	v48 =	vld [tilespmem:$0x4820]  }
0x8b: {  	v49 =	vld [tilespmem:$0x4830]  }
0x8c: {  	v50 =	vld [tilespmem:$0x4840]  }
0x8d: {  	v51 =	vld [tilespmem:$0x4850]  }
0x8e: {  	v52 =	vld [tilespmem:$0x4860]  }
0x8f: {  	v53 =	vld [tilespmem:$0x4870]  }
0x90: {  	v54 =	vld [tilespmem:$0x4880]  }
0x91: {  	v55 =	vld [tilespmem:$0x4890]  }
0x92: {  	v56 =	vld [tilespmem:$0x48A0]  }
0x93: {  	v57 =	vld [tilespmem:$0x48B0]  }
0x94: {  	v58 =	vld [tilespmem:$0x48C0]  }
0x95: {  	v59 =	vld [tilespmem:$0x48D0]  }
0x96: {  	v60 =	vld [tilespmem:$0x48E0]  }
0x97: {  	v63 =	vimm.f32 $1.000000000e+00;
	v61 =	vld [tilespmem:$0x48F0]  }
0x98: {  	[tilespmem:$0x4400] =	vst v63  }
0x99: {  	[tilespmem:$0x4410] =	vst v63  }
0x9a: {  	[tilespmem:$0x4420] =	vst v63;
	vm14 =	vgt.s32 v46, v54;
	vm15 =	vgt.s32 v47, v55;
	vm4 =	vgt.s32 v48, v56  }
0x9b: {  	[tilespmem:$0x4430] =	vst v63;
	vm5 =	vgt.s32 v49, v57;
	vm6 =	vgt.s32 v50, v58;
	vm7 =	vgt.s32 v51, v59  }
0x9c: {  	[tilespmem:$0x4440] =	vst v63;
	vm8 =	vgt.s32 v52, v60;
	vm9 =	vgt.s32 v53, v61;
	v0 =	vsel vm14, v46, v54  }
0x9d: {  	[tilespmem:$0x4450] =	vst v63;
	v1 =	vsel vm15, v47, v55;
	v2 =	vsel vm4, v48, v56;
	v3 =	vsel vm5, v49, v57  }
0x9e: {  	[tilespmem:$0x4460] =	vst v63;
	v4 =	vsel vm6, v50, v58;
	v5 =	vsel vm7, v51, v59;
	v6 =	vsel vm8, v52, v60  }
0x9f: {  	[tilespmem:$0x4470] =	vst v63;
	v7 =	vsel vm9, v53, v61;
	vm10 =	vgt.s32 v0, v4;
	vm11 =	vgt.s32 v1, v5  }
0xa0: {  	[tilespmem:$0x4500] =	vst v63;
	vm12 =	vgt.s32 v2, v6;
	vm13 =	vgt.s32 v3, v7;
	v0 =	vsel vm10, v0, v4  }
0xa1: {  	[tilespmem:$0x4510] =	vst v63;
	v1 =	vsel vm11, v1, v5;
	v2 =	vsel vm12, v2, v6;
	v3 =	vsel vm13, v3, v7  }
0xa2: {  	[tilespmem:$0x4520] =	vst v63;
	vm14 =	vgt.s32 v0, v2;
	vm15 =	vgt.s32 v1, v3  }
0xa3: {  	[tilespmem:$0x4530] =	vst v63;
	v0 =	vsel vm14, v0, v2;
	v1 =	vsel vm15, v1, v3  }
0xa4: {  	[tilespmem:$0x4540] =	vst v63;
	vm0 =	vgt.s32 v0, v1  }
0xa5: {  	[tilespmem:$0x4550] =	vst v63;
	v0 =	vsel vm0, v0, v1  }
0xa6: {  	[tilespmem:$0x4560] =	vst v63;
	(v2sf) =	vpush v0, $0x0  }
0xa7: {  	[tilespmem:$0x4570] =	vst v63;
	(v2sf) =	vpush v0, $0x1  }
0xa8: {  	[tilespmem:$0x4600] =	vst v63  }
0xa9: {  	[tilespmem:$0x4610] =	vst v63;
	(v2sf) =	vpush v0, $0x2  }
0xaa: {  	[tilespmem:$0x4620] =	vst v63  }
0xab: {  	[tilespmem:$0x4630] =	vst v63;
	(v2sf) =	vpush v0, $0x3  }
0xac: {  	[tilespmem:$0x4640] =	vst v63  }
0xad: {  	[tilespmem:$0x4650] =	vst v63;
	(v2sf) =	vpush v0, $0x4  }
0xae: {  	[tilespmem:$0x4660] =	vst v63  }
0xaf: {  	[tilespmem:$0x4670] =	vst v63;
	(v2sf) =	vpush v0, $0x5  }
0xb0: {  	[tilespmem:$0x4700] =	vst v63  }
0xb1: {  	[tilespmem:$0x4710] =	vst v63;
	(v2sf) =	vpush v0, $0x6  }
0xb2: {  	[tilespmem:$0x4720] =	vst v63  }
0xb3: {  	[tilespmem:$0x4730] =	vst v63;
	(v2sf) =	vpush v0, $0x7  }
0xb4: {  	[tilespmem:$0x4740] =	vst v63  }
0xb5: {  	[tilespmem:$0x4750] =	vst v63;
	s5 =	spop (v2sf);
	(v2sf) =	vpush v0, $0x8  }
0xb6: {  	[tilespmem:$0x4760] =	vst v63;
	s6 =	spop (v2sf)  }
0xb7: {  	[tilespmem:$0x4770] =	vst v63;
	(v2sf) =	vpush v0, $0x9;
	p0 =	sgt.s32 s5, s6  }
0xb8: {  	[tilespmem:$0x4480] =	vst v63;
	s6 =	smov.u32 @p0 s5;
	s5 =	spop (v2sf)  }
0xb9: {  	[tilespmem:$0x4490] =	vst v63;
	(v2sf) =	vpush v0, $0xA;
	p0 =	sgt.s32 s6, s5  }
0xba: {  	[tilespmem:$0x44A0] =	vst v63;
	s5 =	smov.u32 @p0 s6;
	s6 =	spop (v2sf)  }
0xbb: {  	[tilespmem:$0x44B0] =	vst v63;
	(v2sf) =	vpush v0, $0xB;
	p0 =	sgt.s32 s5, s6  }
0xbc: {  	[tilespmem:$0x44C0] =	vst v63;
	s6 =	smov.u32 @p0 s5;
	s5 =	spop (v2sf)  }
0xbd: {  	[tilespmem:$0x44D0] =	vst v63;
	(v2sf) =	vpush v0, $0xC;
	p0 =	sgt.s32 s6, s5  }
0xbe: {  	[tilespmem:$0x44E0] =	vst v63;
	s5 =	smov.u32 @p0 s6;
	s6 =	spop (v2sf)  }
0xbf: {  	[tilespmem:$0x44F0] =	vst v63;
	(v2sf) =	vpush v0, $0xD;
	p0 =	sgt.s32 s5, s6  }
0xc0: {  	[tilespmem:$0x4580] =	vst v63;
	s6 =	smov.u32 @p0 s5;
	s5 =	spop (v2sf)  }
0xc1: {  	[tilespmem:$0x4590] =	vst v63;
	(v2sf) =	vpush v0, $0xE;
	p0 =	sgt.s32 s6, s5  }
0xc2: {  	[tilespmem:$0x45A0] =	vst v63;
	s5 =	smov.u32 @p0 s6;
	s6 =	spop (v2sf)  }
0xc3: {  	[tilespmem:$0x45B0] =	vst v63;
	(v2sf) =	vpush v0, $0xF;
	p0 =	sgt.s32 s5, s6  }
0xc4: {  	[tilespmem:$0x45C0] =	vst v63;
	s7 =	spop (v2sf);
	s6 =	smov.u32 @p0 s5  }
0xc5: {  	[tilespmem:$0x45D0] =	vst v63;
	p0 =	sgt.s32 s6, s7  }
0xc6: {  	[tilespmem:$0x45E0] =	vst v63;
	s5 =	spop (v2sf);
	s7 =	smov.u32 @p0 s6  }
0xc7: {  	[tilespmem:$0x45F0] =	vst v63;
	p0 =	sgt.s32 s7, s5  }
0xc8: {  	[tilespmem:$0x4680] =	vst v63;
	s6 =	spop (v2sf);
	s5 =	smov.u32 @p0 s7  }
0xc9: {  	[tilespmem:$0x4690] =	vst v63;
	p0 =	sgt.s32 s5, s6  }
0xca: {  	[tilespmem:$0x46A0] =	vst v63;
	s7 =	spop (v2sf);
	s6 =	smov.u32 @p0 s5  }
0xcb: {  	[tilespmem:$0x46B0] =	vst v63;
	p0 =	sgt.s32 s6, s7  }
0xcc: {  	[tilespmem:$0x46C0] =	vst v63;
	s5 =	spop (v2sf);
	s7 =	smov.u32 @p0 s6  }
0xcd: {  	[tilespmem:$0x46D0] =	vst v63;
	p0 =	sgt.s32 s7, s5  }
0xce: {  	[tilespmem:$0x46E0] =	vst v63;
	s6 =	spop (v2sf);
	s5 =	smov.u32 @p0 s7  }
0xcf: {  	[tilespmem:$0x46F0] =	vst v63;
	p0 =	sgt.s32 s5, s6  }
0xd0: {  	[tilespmem:$0x4780] =	vst v63;
	s7 =	spop (v2sf);
	s6 =	smov.u32 @p0 s5  }
0xd1: {  	[tilespmem:$0x4790] =	vst v63;
	p0 =	sgt.s32 s6, s7  }
0xd2: {  	[tilespmem:$0x47A0] =	vst v63;
	s5 =	spop (v2sf);
	s7 =	smov.u32 @p0 s6  }
0xd3: {  	[tilespmem:$0x47B0] =	vst v63;
	p0 =	sgt.s32 s7, s5  }
0xd4: {  	[tilespmem:$0x47C0] =	vst v63;
	s5 =	smov.u32 @p0 s7  }
0xd5: {  	[tilespmem:$0x47D0] =	vst v63;
	p0 =	sgt.s32 s5, $0xA;
	s5 =	simm.f32 $0.0e+00  }
0xd6: {  	[tilespmem:$0x47E0] =	vst v63;
	s5 =	simm.s32 @!p0 $0x3F800000  }
0xd7: {  	[tilespmem:$0x47F0] =	vst v63;
	v62 =	vmov s5  }
0xd8: {  	[tilespmem:$0x4000] =	vst v62  }
0xd9: {  	[tilespmem:$0x4010] =	vst v62  }
0xda: {  	[tilespmem:$0x4020] =	vst v62  }
0xdb: {  	[tilespmem:$0x4030] =	vst v62  }
0xdc: {  	[tilespmem:$0x4040] =	vst v62  }
0xdd: {  	[tilespmem:$0x4050] =	vst v62  }
0xde: {  	[tilespmem:$0x4060] =	vst v62  }
0xdf: {  	[tilespmem:$0x4070] =	vst v62  }
0xe0: {  	[tilespmem:$0x4100] =	vst v62  }
0xe1: {  	[tilespmem:$0x4110] =	vst v62  }
0xe2: {  	[tilespmem:$0x4120] =	vst v62  }
0xe3: {  	[tilespmem:$0x4130] =	vst v62  }
0xe4: {  	[tilespmem:$0x4140] =	vst v62  }
0xe5: {  	[tilespmem:$0x4150] =	vst v62  }
0xe6: {  	[tilespmem:$0x4160] =	vst v62  }
0xe7: {  	[tilespmem:$0x4170] =	vst v62  }
0xe8: {  	[tilespmem:$0x4200] =	vst v62  }
0xe9: {  	[tilespmem:$0x4210] =	vst v62  }
0xea: {  	[tilespmem:$0x4220] =	vst v62  }
0xeb: {  	[tilespmem:$0x4230] =	vst v62  }
0xec: {  	[tilespmem:$0x4240] =	vst v62  }
0xed: {  	[tilespmem:$0x4250] =	vst v62  }
0xee: {  	[tilespmem:$0x4260] =	vst v62  }
0xef: {  	[tilespmem:$0x4270] =	vst v62  }
0xf0: {  	[tilespmem:$0x4300] =	vst v62  }
0xf1: {  	[tilespmem:$0x4310] =	vst v62  }
0xf2: {  	[tilespmem:$0x4320] =	vst v62  }
0xf3: {  	[tilespmem:$0x4330] =	vst v62  }
0xf4: {  	[tilespmem:$0x4340] =	vst v62  }
0xf5: {  	[tilespmem:$0x4350] =	vst v62  }
0xf6: {  	[tilespmem:$0x4360] =	vst v62  }
0xf7: {  	[tilespmem:$0x4370] =	vst v62  }
0xf8: {  	[tilespmem:$0x4080] =	vst v62  }
0xf9: {  	[tilespmem:$0x4090] =	vst v62  }
0xfa: {  	[tilespmem:$0x40A0] =	vst v62  }
0xfb: {  	[tilespmem:$0x40B0] =	vst v62  }
0xfc: {  	[tilespmem:$0x40C0] =	vst v62  }
0xfd: {  	[tilespmem:$0x40D0] =	vst v62  }
0xfe: {  	[tilespmem:$0x40E0] =	vst v62  }
0xff: {  	[tilespmem:$0x40F0] =	vst v62  }
0x100: {  	[tilespmem:$0x4180] =	vst v62  }
0x101: {  	[tilespmem:$0x4190] =	vst v62  }
0x102: {  	[tilespmem:$0x41A0] =	vst v62  }
0x103: {  	[tilespmem:$0x41B0] =	vst v62  }
0x104: {  	[tilespmem:$0x41C0] =	vst v62  }
0x105: {  	[tilespmem:$0x41D0] =	vst v62  }
0x106: {  	[tilespmem:$0x41E0] =	vst v62  }
0x107: {  	[tilespmem:$0x41F0] =	vst v62  }
0x108: {  	[tilespmem:$0x4280] =	vst v62  }
0x109: {  	[tilespmem:$0x4290] =	vst v62  }
0x10a: {  	[tilespmem:$0x42A0] =	vst v62  }
0x10b: {  	[tilespmem:$0x42B0] =	vst v62  }
0x10c: {  	[tilespmem:$0x42C0] =	vst v62  }
0x10d: {  	[tilespmem:$0x42D0] =	vst v62  }
0x10e: {  	[tilespmem:$0x42E0] =	vst v62  }
0x10f: {  	[tilespmem:$0x42F0] =	vst v62  }
0x110: {  	[tilespmem:$0x4380] =	vst v62  }
0x111: {  	[tilespmem:$0x4390] =	vst v62  }
0x112: {  	[tilespmem:$0x43A0] =	vst v62  }
0x113: {  	[tilespmem:$0x43B0] =	vst v62  }
0x114: {  	[tilespmem:$0x43C0] =	vst v62  }
0x115: {  	[tilespmem:$0x43D0] =	vst v62  }
0x116: {  	s4 =	sadd.s32 s1, s4;
	[tilespmem:$0x43E0] =	vst v62  }
0x117: {  	s14 =	simm.s32 $0x100;
	s15 =	simm.s32 $0x400;
	s16 =	simm.s32 $0x4000;
	[tilespmem:$0x43F0] =	vst v62  }
0x118: {  	[hbm4b:s4+s14] =	stream.strided.scatter [tilespmem:s16], [sflag:$0x3], $0x400, s15, s14, $0x38;
	[tilespmem:$0x4910] =	vst v63  }
0x119: {  	s8 =	sadd.s32 $0x20, s4  }
0x11a: {  	[hbm4b:s8+s14] =	stream.strided.scatter [tilespmem:s16], [sflag:$0x3], $0x400, s15, s14, $0x38;
	[tilespmem:$0x4910] =	vst v63  }
0x11b: {  	s17 =	sadd.s32 $0x40, s4  }
0x11c: {  	[hbm4b:s17+s14] =	stream.strided.scatter [tilespmem:s16], [sflag:$0x3], $0x400, s15, s14, $0x38;
	[tilespmem:$0x4910] =	vst v63  }
0x11d: {  	s18 =	sadd.s32 $0x60, s4  }
0x11e: {  	[hbm4b:s18+s14] =	stream.strided.scatter [tilespmem:s16], [sflag:$0x3], $0x400, s15, s14, $0x38;
	[tilespmem:$0x4910] =	vst v63  }
0x11f: {  	s19 =	sadd.s32 $0x200, s4  }
0x120: {  	[hbm4b:s19+s14] =	stream.strided.scatter [tilespmem:s16], [sflag:$0x3], $0x400, s15, s14, $0x38;
	[tilespmem:$0x4910] =	vst v63  }
0x121: {  	s20 =	sadd.s32 $0x220, s4  }
0x122: {  	[hbm4b:s20+s14] =	stream.strided.scatter [tilespmem:s16], [sflag:$0x3], $0x400, s15, s14, $0x38;
	[tilespmem:$0x4910] =	vst v63  }
0x123: {  	s21 =	sadd.s32 $0x240, s4  }
0x124: {  	[hbm4b:s21+s14] =	stream.strided.scatter [tilespmem:s16], [sflag:$0x3], $0x400, s15, s14, $0x38;
	[tilespmem:$0x4910] =	vst v63  }
0x125: {  	s22 =	sadd.s32 $0x260, s4  }
0x126: {  	[hbm4b:s22+s14] =	stream.strided.scatter [tilespmem:s16], [sflag:$0x3], $0x400, s15, s14, $0x38;
	[tilespmem:$0x4910] =	vst v63  }
0x127: {  	s3 =	sadd.s32 s1, s3  }
0x128: {  	[hbm4b:s3+s14] =	stream.strided.scatter [tilespmem:s16], [sflag:$0x3], $0x400, s15, s14, $0x38;
	[tilespmem:$0x4910] =	vst v63  }
0x129: {  	s23 =	sadd.s32 $0x420, s4  }
0x12a: {  	[hbm4b:s23+s14] =	stream.strided.scatter [tilespmem:s16], [sflag:$0x3], $0x400, s15, s14, $0x38;
	[tilespmem:$0x4910] =	vst v63  }
0x12b: {  	s24 =	sadd.s32 $0x440, s4  }
0x12c: {  	[hbm4b:s24+s14] =	stream.strided.scatter [tilespmem:s16], [sflag:$0x3], $0x400, s15, s14, $0x38;
	[tilespmem:$0x4910] =	vst v63  }
0x12d: {  	s25 =	sadd.s32 $0x460, s4  }
0x12e: {  	[hbm4b:s25+s14] =	stream.strided.scatter [tilespmem:s16], [sflag:$0x3], $0x400, s15, s14, $0x38;
	[tilespmem:$0x4910] =	vst v63  }
0x12f: {  	s26 =	sadd.s32 $0x600, s4  }
0x130: {  	[hbm4b:s26+s14] =	stream.strided.scatter [tilespmem:s16], [sflag:$0x3], $0x400, s15, s14, $0x38;
	[tilespmem:$0x4910] =	vst v63  }
0x131: {  	s28 =	sadd.s32 $0x620, s4  }
0x132: {  	[hbm4b:s28+s14] =	stream.strided.scatter [tilespmem:s16], [sflag:$0x3], $0x400, s15, s14, $0x38;
	[tilespmem:$0x4910] =	vst v63  }
0x133: {  	s29 =	sadd.s32 $0x640, s4  }
0x134: {  	[hbm4b:s29+s14] =	stream.strided.scatter [tilespmem:s16], [sflag:$0x3], $0x400, s15, s14, $0x38;
	[tilespmem:$0x4910] =	vst v63  }
0x135: {  	s31 =	simm.s32 $0x3;
	s30 =	sadd.s32 $0x660, s4  }
0x136: {  	[hbm4b:s30+s14] =	stream.strided.scatter [tilespmem:s16], [sflag:$0x3], $0x400, s15, s14, $0x38;
	[tilespmem:$0x4910] =	vst v63  }
0x137: {  	_ =	swait.ge [sflag:s31], $0x400  }
0x138: {  	[sflag:s31] =	ssyncset.done $0x0  }
0x139: {  	[sflag:s31] =	ssyncadd.s32 $0xFFFFFC00  }
0x13a: {  	_ =	swait.ge [sflag:s31], $0x400  }
0x13b: {  	[sflag:s31] =	ssyncset.done $0x0  }
0x13c: {  	[sflag:s31] =	ssyncadd.s32 $0xFFFFFC00  }
0x13d: {  	_ =	swait.ge [sflag:s31], $0x400  }
0x13e: {  	[sflag:s31] =	ssyncset.done $0x0  }
0x13f: {  	[sflag:s31] =	ssyncadd.s32 $0xFFFFFC00  }
0x140: {  	_ =	swait.ge [sflag:s31], $0x400  }
0x141: {  	[sflag:s31] =	ssyncset.done $0x0  }
0x142: {  	[sflag:s31] =	ssyncadd.s32 $0xFFFFFC00  }
0x143: {  	_ =	swait.ge [sflag:s31], $0x400  }
0x144: {  	[sflag:s31] =	ssyncset.done $0x0  }
0x145: {  	[sflag:s31] =	ssyncadd.s32 $0xFFFFFC00  }
0x146: {  	_ =	swait.ge [sflag:s31], $0x400  }
0x147: {  	[sflag:s31] =	ssyncset.done $0x0  }
0x148: {  	[sflag:s31] =	ssyncadd.s32 $0xFFFFFC00  }
0x149: {  	_ =	swait.ge [sflag:s31], $0x400  }
0x14a: {  	[sflag:s31] =	ssyncset.done $0x0  }
0x14b: {  	[sflag:s31] =	ssyncadd.s32 $0xFFFFFC00  }
0x14c: {  	_ =	swait.ge [sflag:s31], $0x400  }
0x14d: {  	[sflag:s31] =	ssyncset.done $0x0  }
0x14e: {  	[sflag:s31] =	ssyncadd.s32 $0xFFFFFC00  }
0x14f: {  	_ =	swait.ge [sflag:s31], $0x400  }
0x150: {  	[sflag:s31] =	ssyncset.done $0x0  }
0x151: {  	[sflag:s31] =	ssyncadd.s32 $0xFFFFFC00  }
0x152: {  	_ =	swait.ge [sflag:s31], $0x400  }
0x153: {  	[sflag:s31] =	ssyncset.done $0x0  }
0x154: {  	[sflag:s31] =	ssyncadd.s32 $0xFFFFFC00  }
0x155: {  	_ =	swait.ge [sflag:s31], $0x400  }
0x156: {  	[sflag:s31] =	ssyncset.done $0x0  }
0x157: {  	[sflag:s31] =	ssyncadd.s32 $0xFFFFFC00  }
0x158: {  	_ =	swait.ge [sflag:s31], $0x400  }
0x159: {  	[sflag:s31] =	ssyncset.done $0x0  }
0x15a: {  	[sflag:s31] =	ssyncadd.s32 $0xFFFFFC00  }
0x15b: {  	_ =	swait.ge [sflag:s31], $0x400  }
0x15c: {  	[sflag:s31] =	ssyncset.done $0x0  }
0x15d: {  	[sflag:s31] =	ssyncadd.s32 $0xFFFFFC00  }
0x15e: {  	_ =	swait.ge [sflag:s31], $0x400  }
0x15f: {  	[sflag:s31] =	ssyncset.done $0x0  }
0x160: {  	[sflag:s31] =	ssyncadd.s32 $0xFFFFFC00  }
0x161: {  	_ =	swait.ge [sflag:s31], $0x400  }
0x162: {  	[sflag:s31] =	ssyncset.done $0x0  }
0x163: {  	[sflag:s31] =	ssyncadd.s32 $0xFFFFFC00  }
0x164: {  	_ =	swait.ge [sflag:s31], $0x400  }
0x165: {  	[sflag:s31] =	ssyncset.done $0x0  }
0x166: {  	p0 =	sne.s32 s2, $0x0;
	[sflag:s31] =	ssyncadd.s32 $0xFFFFFC00  }
0x167: {  	_ =	sfence.sel @p0 $0x180000  }
0x168: {  	[bflag:$0x0] =	sbarrier.arrive @p0 $0xFFFF  }
0x169: {  	s2 =	simm.s32 @!p0 $0x100;
	_ =	strace @p0 $0x90000047  }
0x16a: {  	s4 =	simm.s32 @!p0 $0x4400;
	s3 =	simm.s32 @!p0 $0x400;
	[bflag:$0x2] =	sbarrier.arrive @p0 $0xFFFF  }
0x16b: {  	[hbm4b:s1+s2] =	stream.strided.scatter @!p0 [tilespmem:s4], [sflag:$0x4], $0x400, s3, s2, $0x38;
	[tilespmem:$0x4910] =	vst v63  }
0x16c: {  	s1 =	simm.s32 @!p0 $0x4  }
0x16d: {  	_ =	swait.ge @!p0 [sflag:s1], $0x400  }
0x16e: {  	[sflag:s1] =	ssyncset.done @!p0 $0x0  }
0x16f: {  	[sflag:s1] =	ssyncadd.s32 @!p0 $0xFFFFFC00  }
0x170: {  	_ =	sfence.sel @!p0 $0x180000  }
0x171: {  	[bflag:$0x0] =	sbarrier.arrive @!p0 $0xFFFF  }
0x172: {  	_ =	strace @!p0 $0x90000047  }
0x173: {  	s0 =	sadd.s32 @!p0 $0x100000, s0;
	[bflag:$0x2] =	sbarrier.arrive @!p0 $0xFFFF  }
0x174: {  	[sflag:s0] =	ssyncadd.tile.s32 @!p0 $0x1;
	_ =	shalt  }
.Lfunc_end2:
_tile_overlayer_lowered:
.L_overlay_start_2:
0x175: {  	(tag) =	ssettag $0x2  }
0x176: {  	s0 =	rddreg [dreg:$0x0];
	s2 =	stileid.u32  }
0x177: {  	s1 =	rddreg [dreg:$0x1];
	p0 =	sne.s32 s2, $0x0  }
0x178: {  	s3 =	rddreg [dreg:$0x2];
	[bflag:$0x3] =	sbarrier.arrive $0xFFFF;
	s2 =	simm.s32 @!p0 $0x1C04  }
0x179: {  	[timem:s3], [sflag:s2] =	dma.local @!p0 [hbm:s0], s1  }
0x17a: {  	s0 =	simm.s32 @!p0 $0x4  }
0x17b: {  	_ =	swait.ge @!p0 [sflag:s0], s1  }
0x17c: {  	s1 =	ssub.s32 @!p0 $0x0, s1;
	[sflag:s0] =	ssyncset.done @!p0 $0x0  }
0x17d: {  	[sflag:s0] =	ssyncadd.s32 @!p0 s1  }
0x17e: {  	[bflag:$0x3] =	sbarrier.arrive $0xFFFF  }
0x17f: {  	_ =	shalt  }

</sc_bundles>
